<compile_context>
chip_gen: v7x
topology: tpu7x:2x2x1
jax: 0.10.2.dev20260603
libtpu: 0.0.44.dev20260713+nightly
codegen_flags: <defaults>
</compile_context>

<pallas_src>
import functools

import jax
import jax.numpy as jnp
from jax import lax
from jax.experimental import pallas as pl
from jax.experimental.pallas import tpu as pltpu
from jax.experimental.pallas import tpu_sc as plsc

_NC = 2
_NS = 16
_LANES = 16
_NW = _NC * _NS
_L = 16384
_CHUNK = _L // _NW
_NFIELDS = 5
_BINS = 128
_HIST = _NFIELDS * _BINS
_D = 512


_sc_mesh = plsc.VectorSubcoreMesh(
    core_axis_name="c", subcore_axis_name="s", num_cores=_NC, num_subcores=_NS
)


@functools.partial(
    pl.kernel,
    out_type=jax.ShapeDtypeStruct((_NW, _HIST), jnp.float32),
    mesh=_sc_mesh,
    scratch_types=[
        pltpu.VMEM((_NFIELDS * _CHUNK,), jnp.int32),
        pltpu.VMEM((_HIST,), jnp.float32),
        pltpu.SemaphoreType.DMA((_NFIELDS,)),
        pltpu.SemaphoreType.DMA((_NFIELDS,)),
    ],
    compiler_params=pltpu.CompilerParams(needs_layout_passes=False),
)
def _sc_hist(drum_hbm, tempo_hbm, prog_hbm, pitch_hbm, vel_hbm, out_hbm,
             idx_v, hist_v, sems_in, sems_out):
    wid = lax.axis_index("s") * _NC + lax.axis_index("c")
    base = wid * _CHUNK
    streams = (drum_hbm, tempo_hbm, prog_hbm, pitch_hbm, vel_hbm)
    copies = [
        pltpu.async_copy(stream.at[pl.ds(base, _CHUNK)],
                         idx_v.at[pl.ds(s * _CHUNK, _CHUNK)], sems_in.at[s])
        for s, stream in enumerate(streams)
    ]
    zeros = jnp.zeros((_LANES,), jnp.float32)
    for i in range(_HIST // _LANES):
        hist_v[pl.ds(i * _LANES, _LANES)] = zeros
    ones = jnp.ones((_LANES,), jnp.float32)
    for s in range(_NFIELDS):
        copies[s].wait()
        for j in range(_CHUNK // _LANES):
            iv = idx_v[pl.ds(s * _CHUNK + j * _LANES, _LANES)] + (s * _BINS)
            plsc.addupdate_scatter(hist_v, [iv], ones)
    pltpu.sync_copy(hist_v, out_hbm.at[wid])


def _tc_combine_body(hists_ref, drum_t, prog_t, pitch_t, vel_t, out_ref):
    h = hists_ref[:]
    tables = (drum_t, prog_t, prog_t, pitch_t, vel_t)
    for s, t in enumerate(tables):
        counts = jnp.sum(h[:, s * _BINS:(s + 1) * _BINS], axis=0, keepdims=True)
        counts = counts[:, :t.shape[0]]
        seg = jnp.dot(counts, t[:], preferred_element_type=jnp.float32,
                      precision=jax.lax.Precision.HIGHEST)
        out_ref[:, pl.ds(s * _D, _D)] = seg


_tc_combine = pl.pallas_call(
    _tc_combine_body,
    out_shape=jax.ShapeDtypeStruct((1, _NFIELDS * _D), jnp.float32),
)


def kernel(pitch_indices, velocity_indices, program_indices, tempo_indices,
           drum_indices, pitch_table, velocity_table, program_table,
           tempo_table, drum_table):
    del tempo_table
    streams = [
        x.astype(jnp.int32)
        for x in (drum_indices, tempo_indices, program_indices,
                  pitch_indices, velocity_indices)
    ]
    hists = _sc_hist(*streams)
    return _tc_combine(hists, drum_table, program_table, pitch_table,
                       velocity_table)

# --- scband reference (transcript-rebuilt; emitter-appended) ---
"""Pipeline reference for scband-music-embedding-66142496358866 (READ-ONLY COPY).

The authoritative reference and input builder live on the scoring server;
editing this copy changes nothing except your own understanding.
"""

import jax, jax.numpy as jnp
import numpy as np

L = 16384
D = 512

def setup_inputs(seed: int = 0) -> dict:
    key = jax.random.key(seed)
    ks = jax.random.split(key, 10)
    inp = {
        "pitch_indices": jax.random.randint(ks[0], (L,), 0, 128),
        "velocity_indices": jax.random.randint(ks[1], (L,), 0, 128),
        "program_indices": jax.random.randint(ks[2], (L,), 0, 128),
        "tempo_indices": jax.random.randint(ks[3], (L,), 0, 8),
        "drum_indices": jax.random.randint(ks[4], (L,), 0, 2),
        "pitch_table": jax.random.normal(ks[5], (128, D), dtype=jnp.float32),
        "velocity_table": jax.random.normal(ks[6], (128, D), dtype=jnp.float32),
        "program_table": jax.random.normal(ks[7], (128, D), dtype=jnp.float32),
        "tempo_table": jax.random.normal(ks[8], (8, D), dtype=jnp.float32),
        "drum_table": jax.random.normal(ks[9], (2, D), dtype=jnp.float32),
    }
    return inp

def _bag_sum(table, idx):
    # EmbeddingBag(mode='sum') over a single bag of length L -> [1, D]
    return jnp.sum(jnp.take(table, idx, axis=0), axis=0, keepdims=True)

def reference(pitch_indices, velocity_indices, program_indices, tempo_indices, drum_indices,
              pitch_table, velocity_table, program_table, tempo_table, drum_table):
    pitch_embeddings = _bag_sum(pitch_table, pitch_indices)
    velocity_embeddings = _bag_sum(velocity_table, velocity_indices)
    # NOTE: faithful to the original module, tempo_indices are looked up in the
    # program embedding table (the tempo table is defined but unused in forward).
    tempo_embeddings = _bag_sum(program_table, tempo_indices)
    program_embeddings = _bag_sum(program_table, program_indices)
    drum_embeddings = _bag_sum(drum_table, drum_indices)
    combined = jnp.concatenate([
        drum_embeddings, tempo_embeddings, program_embeddings,
        pitch_embeddings, velocity_embeddings
    ], axis=-1)
    return combined

if __name__ == "__main__":
    import jax
    _d = setup_inputs()
    print(jax.jit(kernel)(*tuple(_d.values())))

</pallas_src>

<mosaic_0001>
#map = affine_map<(d0, d1) -> (0)>
#map1 = affine_map<(d0, d1) -> (0, 0)>
module attributes {stable_mosaic.version = 14 : i64} {
  func.func @_sc_hist(%arg0: i32, %arg1: i32, %arg2: memref<16384xi32, #tpu.memory_space<hbm>>, %arg3: memref<16384xi32, #tpu.memory_space<hbm>>, %arg4: memref<16384xi32, #tpu.memory_space<hbm>>, %arg5: memref<16384xi32, #tpu.memory_space<hbm>>, %arg6: memref<16384xi32, #tpu.memory_space<hbm>>, %arg7: memref<32x640xf32, #tpu.memory_space<hbm>>, %arg8: memref<2560xi32, #tpu.memory_space<vmem>>, %arg9: memref<640xf32, #tpu.memory_space<vmem>>, %arg10: memref<5x!tpu.dma_semaphore, #tpu.memory_space<semaphore_mem>>, %arg11: memref<5x!tpu.dma_semaphore, #tpu.memory_space<semaphore_mem>>) attributes {dimension_semantics = [#tpu.dimension_semantics<core_parallel>, #tpu.dimension_semantics<subcore_parallel>], iteration_bounds = array<i64: 2, 16>, scalar_prefetch = 0 : i64, scratch_operands = 4 : i64, tpu.core_type = #tpu.core_type<sc_vector_subcore>, window_params = [{transform_indices = #map}, {transform_indices = #map}, {transform_indices = #map}, {transform_indices = #map}, {transform_indices = #map}, {transform_indices = #map1}]} {
    %mul3A = arith.constant 2 : i32
    %mul3A_0 = arith.muli %arg1, %mul3A : i32
    %add3A = arith.addi %mul3A_0, %arg0 : i32
    %mul3A_1 = arith.constant 512 : i32
    %mul3A_2 = arith.muli %add3A, %mul3A_1 : i32
    %dma_start3A = arith.constant 0 : i32
    %dma_start3A_3 = arith.constant 0 : i32
    %dma_start3A_4 = tpu.memref_slice %arg8[%dma_start3A_3] : memref<2560xi32, #tpu.memory_space<vmem>> -> memref<512xi32, #tpu.memory_space<vmem>>
    %dma_start3A_5 = tpu.memref_slice %arg2[%mul3A_2] : memref<16384xi32, #tpu.memory_space<hbm>> -> memref<512xi32, #tpu.memory_space<hbm>>
    %dma_start3A_6 = tpu.memref_slice %arg10[%dma_start3A] : memref<5x!tpu.dma_semaphore, #tpu.memory_space<semaphore_mem>> -> memref<1x!tpu.dma_semaphore, #tpu.memory_space<semaphore_mem>>
    %dma_start3A_7 = tpu.memref_squeeze %dma_start3A_6 : memref<1x!tpu.dma_semaphore, #tpu.memory_space<semaphore_mem>> -> memref<!tpu.dma_semaphore, #tpu.memory_space<semaphore_mem>>
    %dma_start3A_8 = arith.constant 0 : i32
    %dma_start3A_9 = tpu.memref_slice %arg8[%dma_start3A_8] : memref<2560xi32, #tpu.memory_space<vmem>> -> memref<512xi32, #tpu.memory_space<vmem>>
    %dma_start3A_10 = tpu.memref_slice %arg2[%mul3A_2] : memref<16384xi32, #tpu.memory_space<hbm>> -> memref<512xi32, #tpu.memory_space<hbm>>
    tpu.enqueue_dma source(%dma_start3A_10 : memref<512xi32, #tpu.memory_space<hbm>>) target(%dma_start3A_9 : memref<512xi32, #tpu.memory_space<vmem>>) target_semaphore(%dma_start3A_7 : memref<!tpu.dma_semaphore, #tpu.memory_space<semaphore_mem>>)
    %dma_start3A_11 = arith.constant 1 : i32
    %dma_start3A_12 = arith.constant 512 : i32
    %dma_start3A_13 = tpu.memref_slice %arg8[%dma_start3A_12] : memref<2560xi32, #tpu.memory_space<vmem>> -> memref<512xi32, #tpu.memory_space<vmem>>
    %dma_start3A_14 = tpu.memref_slice %arg3[%mul3A_2] : memref<16384xi32, #tpu.memory_space<hbm>> -> memref<512xi32, #tpu.memory_space<hbm>>
    %dma_start3A_15 = tpu.memref_slice %arg10[%dma_start3A_11] : memref<5x!tpu.dma_semaphore, #tpu.memory_space<semaphore_mem>> -> memref<1x!tpu.dma_semaphore, #tpu.memory_space<semaphore_mem>>
    %dma_start3A_16 = tpu.memref_squeeze %dma_start3A_15 : memref<1x!tpu.dma_semaphore, #tpu.memory_space<semaphore_mem>> -> memref<!tpu.dma_semaphore, #tpu.memory_space<semaphore_mem>>
    %dma_start3A_17 = arith.constant 512 : i32
    %dma_start3A_18 = tpu.memref_slice %arg8[%dma_start3A_17] : memref<2560xi32, #tpu.memory_space<vmem>> -> memref<512xi32, #tpu.memory_space<vmem>>
    %dma_start3A_19 = tpu.memref_slice %arg3[%mul3A_2] : memref<16384xi32, #tpu.memory_space<hbm>> -> memref<512xi32, #tpu.memory_space<hbm>>
    tpu.enqueue_dma source(%dma_start3A_19 : memref<512xi32, #tpu.memory_space<hbm>>) target(%dma_start3A_18 : memref<512xi32, #tpu.memory_space<vmem>>) target_semaphore(%dma_start3A_16 : memref<!tpu.dma_semaphore, #tpu.memory_space<semaphore_mem>>)
    %dma_start3A_20 = arith.constant 2 : i32
    %dma_start3A_21 = arith.constant 1024 : i32
    %dma_start3A_22 = tpu.memref_slice %arg8[%dma_start3A_21] : memref<2560xi32, #tpu.memory_space<vmem>> -> memref<512xi32, #tpu.memory_space<vmem>>
    %dma_start3A_23 = tpu.memref_slice %arg4[%mul3A_2] : memref<16384xi32, #tpu.memory_space<hbm>> -> memref<512xi32, #tpu.memory_space<hbm>>
    %dma_start3A_24 = tpu.memref_slice %arg10[%dma_start3A_20] : memref<5x!tpu.dma_semaphore, #tpu.memory_space<semaphore_mem>> -> memref<1x!tpu.dma_semaphore, #tpu.memory_space<semaphore_mem>>
    %dma_start3A_25 = tpu.memref_squeeze %dma_start3A_24 : memref<1x!tpu.dma_semaphore, #tpu.memory_space<semaphore_mem>> -> memref<!tpu.dma_semaphore, #tpu.memory_space<semaphore_mem>>
    %dma_start3A_26 = arith.constant 1024 : i32
    %dma_start3A_27 = tpu.memref_slice %arg8[%dma_start3A_26] : memref<2560xi32, #tpu.memory_space<vmem>> -> memref<512xi32, #tpu.memory_space<vmem>>
    %dma_start3A_28 = tpu.memref_slice %arg4[%mul3A_2] : memref<16384xi32, #tpu.memory_space<hbm>> -> memref<512xi32, #tpu.memory_space<hbm>>
    tpu.enqueue_dma source(%dma_start3A_28 : memref<512xi32, #tpu.memory_space<hbm>>) target(%dma_start3A_27 : memref<512xi32, #tpu.memory_space<vmem>>) target_semaphore(%dma_start3A_25 : memref<!tpu.dma_semaphore, #tpu.memory_space<semaphore_mem>>)
    %dma_start3A_29 = arith.constant 3 : i32
    %dma_start3A_30 = arith.constant 1536 : i32
    %dma_start3A_31 = tpu.memref_slice %arg8[%dma_start3A_30] : memref<2560xi32, #tpu.memory_space<vmem>> -> memref<512xi32, #tpu.memory_space<vmem>>
    %dma_start3A_32 = tpu.memref_slice %arg5[%mul3A_2] : memref<16384xi32, #tpu.memory_space<hbm>> -> memref<512xi32, #tpu.memory_space<hbm>>
    %dma_start3A_33 = tpu.memref_slice %arg10[%dma_start3A_29] : memref<5x!tpu.dma_semaphore, #tpu.memory_space<semaphore_mem>> -> memref<1x!tpu.dma_semaphore, #tpu.memory_space<semaphore_mem>>
    %dma_start3A_34 = tpu.memref_squeeze %dma_start3A_33 : memref<1x!tpu.dma_semaphore, #tpu.memory_space<semaphore_mem>> -> memref<!tpu.dma_semaphore, #tpu.memory_space<semaphore_mem>>
    %dma_start3A_35 = arith.constant 1536 : i32
    %dma_start3A_36 = tpu.memref_slice %arg8[%dma_start3A_35] : memref<2560xi32, #tpu.memory_space<vmem>> -> memref<512xi32, #tpu.memory_space<vmem>>
    %dma_start3A_37 = tpu.memref_slice %arg5[%mul3A_2] : memref<16384xi32, #tpu.memory_space<hbm>> -> memref<512xi32, #tpu.memory_space<hbm>>
    tpu.enqueue_dma source(%dma_start3A_37 : memref<512xi32, #tpu.memory_space<hbm>>) target(%dma_start3A_36 : memref<512xi32, #tpu.memory_space<vmem>>) target_semaphore(%dma_start3A_34 : memref<!tpu.dma_semaphore, #tpu.memory_space<semaphore_mem>>)
    %dma_start3A_38 = arith.constant 4 : i32
    %dma_start3A_39 = arith.constant 2048 : i32
    %dma_start3A_40 = tpu.memref_slice %arg8[%dma_start3A_39] : memref<2560xi32, #tpu.memory_space<vmem>> -> memref<512xi32, #tpu.memory_space<vmem>>
    %dma_start3A_41 = tpu.memref_slice %arg6[%mul3A_2] : memref<16384xi32, #tpu.memory_space<hbm>> -> memref<512xi32, #tpu.memory_space<hbm>>
    %dma_start3A_42 = tpu.memref_slice %arg10[%dma_start3A_38] : memref<5x!tpu.dma_semaphore, #tpu.memory_space<semaphore_mem>> -> memref<1x!tpu.dma_semaphore, #tpu.memory_space<semaphore_mem>>
    %dma_start3A_43 = tpu.memref_squeeze %dma_start3A_42 : memref<1x!tpu.dma_semaphore, #tpu.memory_space<semaphore_mem>> -> memref<!tpu.dma_semaphore, #tpu.memory_space<semaphore_mem>>
    %dma_start3A_44 = arith.constant 2048 : i32
    %dma_start3A_45 = tpu.memref_slice %arg8[%dma_start3A_44] : memref<2560xi32, #tpu.memory_space<vmem>> -> memref<512xi32, #tpu.memory_space<vmem>>
    %dma_start3A_46 = tpu.memref_slice %arg6[%mul3A_2] : memref<16384xi32, #tpu.memory_space<hbm>> -> memref<512xi32, #tpu.memory_space<hbm>>
    tpu.enqueue_dma source(%dma_start3A_46 : memref<512xi32, #tpu.memory_space<hbm>>) target(%dma_start3A_45 : memref<512xi32, #tpu.memory_space<vmem>>) target_semaphore(%dma_start3A_43 : memref<!tpu.dma_semaphore, #tpu.memory_space<semaphore_mem>>)
    %broadcast_in_dim3A = arith.constant 0.000000e+00 : f32
    %broadcast_in_dim3A_47 = vector.broadcast %broadcast_in_dim3A : f32 to vector<16xf32>
    %swap3A = arith.constant 0 : index
    %swap3A_48 = tpu.vector_load %arg9[%swap3A] {strides = array<i32>} : memref<640xf32, #tpu.memory_space<vmem>>, vector<16xf32>,
    tpu.vector_store %arg9[%swap3A], %broadcast_in_dim3A_47 {strides = array<i32>} : memref<640xf32, #tpu.memory_space<vmem>>, vector<16xf32>,
    %swap3A_49 = arith.constant 16 : index
    %swap3A_50 = tpu.vector_load %arg9[%swap3A_49] {strides = array<i32>} : memref<640xf32, #tpu.memory_space<vmem>>, vector<16xf32>,
    tpu.vector_store %arg9[%swap3A_49], %broadcast_in_dim3A_47 {strides = array<i32>} : memref<640xf32, #tpu.memory_space<vmem>>, vector<16xf32>,
    %swap3A_51 = arith.constant 32 : index
    %swap3A_52 = tpu.vector_load %arg9[%swap3A_51] {strides = array<i32>} : memref<640xf32, #tpu.memory_space<vmem>>, vector<16xf32>,
    tpu.vector_store %arg9[%swap3A_51], %broadcast_in_dim3A_47 {strides = array<i32>} : memref<640xf32, #tpu.memory_space<vmem>>, vector<16xf32>,
    %swap3A_53 = arith.constant 48 : index
    %swap3A_54 = tpu.vector_load %arg9[%swap3A_53] {strides = array<i32>} : memref<640xf32, #tpu.memory_space<vmem>>, vector<16xf32>,
    tpu.vector_store %arg9[%swap3A_53], %broadcast_in_dim3A_47 {strides = array<i32>} : memref<640xf32, #tpu.memory_space<vmem>>, vector<16xf32>,
    %swap3A_55 = arith.constant 64 : index
    %swap3A_56 = tpu.vector_load %arg9[%swap3A_55] {strides = array<i32>} : memref<640xf32, #tpu.memory_space<vmem>>, vector<16xf32>,
    tpu.vector_store %arg9[%swap3A_55], %broadcast_in_dim3A_47 {strides = array<i32>} : memref<640xf32, #tpu.memory_space<vmem>>, vector<16xf32>,
    %swap3A_57 = arith.constant 80 : index
    %swap3A_58 = tpu.vector_load %arg9[%swap3A_57] {strides = array<i32>} : memref<640xf32, #tpu.memory_space<vmem>>, vector<16xf32>,
    tpu.vector_store %arg9[%swap3A_57], %broadcast_in_dim3A_47 {strides = array<i32>} : memref<640xf32, #tpu.memory_space<vmem>>, vector<16xf32>,
    %swap3A_59 = arith.constant 96 : index
    %swap3A_60 = tpu.vector_load %arg9[%swap3A_59] {strides = array<i32>} : memref<640xf32, #tpu.memory_space<vmem>>, vector<16xf32>,
    tpu.vector_store %arg9[%swap3A_59], %broadcast_in_dim3A_47 {strides = array<i32>} : memref<640xf32, #tpu.memory_space<vmem>>, vector<16xf32>,
    %swap3A_61 = arith.constant 112 : index
    %swap3A_62 = tpu.vector_load %arg9[%swap3A_61] {strides = array<i32>} : memref<640xf32, #tpu.memory_space<vmem>>, vector<16xf32>,
    tpu.vector_store %arg9[%swap3A_61], %broadcast_in_dim3A_47 {strides = array<i32>} : memref<640xf32, #tpu.memory_space<vmem>>, vector<16xf32>,
    %swap3A_63 = arith.constant 128 : index
    %swap3A_64 = tpu.vector_load %arg9[%swap3A_63] {strides = array<i32>} : memref<640xf32, #tpu.memory_space<vmem>>, vector<16xf32>,
    tpu.vector_store %arg9[%swap3A_63], %broadcast_in_dim3A_47 {strides = array<i32>} : memref<640xf32, #tpu.memory_space<vmem>>, vector<16xf32>,
    %swap3A_65 = arith.constant 144 : index
    %swap3A_66 = tpu.vector_load %arg9[%swap3A_65] {strides = array<i32>} : memref<640xf32, #tpu.memory_space<vmem>>, vector<16xf32>,
    tpu.vector_store %arg9[%swap3A_65], %broadcast_in_dim3A_47 {strides = array<i32>} : memref<640xf32, #tpu.memory_space<vmem>>, vector<16xf32>,
    %swap3A_67 = arith.constant 160 : index
    %swap3A_68 = tpu.vector_load %arg9[%swap3A_67] {strides = array<i32>} : memref<640xf32, #tpu.memory_space<vmem>>, vector<16xf32>,
    tpu.vector_store %arg9[%swap3A_67], %broadcast_in_dim3A_47 {strides = array<i32>} : memref<640xf32, #tpu.memory_space<vmem>>, vector<16xf32>,
    %swap3A_69 = arith.constant 176 : index
    %swap3A_70 = tpu.vector_load %arg9[%swap3A_69] {strides = array<i32>} : memref<640xf32, #tpu.memory_space<vmem>>, vector<16xf32>,
    tpu.vector_store %arg9[%swap3A_69], %broadcast_in_dim3A_47 {strides = array<i32>} : memref<640xf32, #tpu.memory_space<vmem>>, vector<16xf32>,
    %swap3A_71 = arith.constant 192 : index
    %swap3A_72 = tpu.vector_load %arg9[%swap3A_71] {strides = array<i32>} : memref<640xf32, #tpu.memory_space<vmem>>, vector<16xf32>,
    tpu.vector_store %arg9[%swap3A_71], %broadcast_in_dim3A_47 {strides = array<i32>} : memref<640xf32, #tpu.memory_space<vmem>>, vector<16xf32>,
    %swap3A_73 = arith.constant 208 : index
    %swap3A_74 = tpu.vector_load %arg9[%swap3A_73] {strides = array<i32>} : memref<640xf32, #tpu.memory_space<vmem>>, vector<16xf32>,
    tpu.vector_store %arg9[%swap3A_73], %broadcast_in_dim3A_47 {strides = array<i32>} : memref<640xf32, #tpu.memory_space<vmem>>, vector<16xf32>,
    %swap3A_75 = arith.constant 224 : index
    %swap3A_76 = tpu.vector_load %arg9[%swap3A_75] {strides = array<i32>} : memref<640xf32, #tpu.memory_space<vmem>>, vector<16xf32>,
    tpu.vector_store %arg9[%swap3A_75], %broadcast_in_dim3A_47 {strides = array<i32>} : memref<640xf32, #tpu.memory_space<vmem>>, vector<16xf32>,
    %swap3A_77 = arith.constant 240 : index
    %swap3A_78 = tpu.vector_load %arg9[%swap3A_77] {strides = array<i32>} : memref<640xf32, #tpu.memory_space<vmem>>, vector<16xf32>,
    tpu.vector_store %arg9[%swap3A_77], %broadcast_in_dim3A_47 {strides = array<i32>} : memref<640xf32, #tpu.memory_space<vmem>>, vector<16xf32>,
    %swap3A_79 = arith.constant 256 : index
    %swap3A_80 = tpu.vector_load %arg9[%swap3A_79] {strides = array<i32>} : memref<640xf32, #tpu.memory_space<vmem>>, vector<16xf32>,
    tpu.vector_store %arg9[%swap3A_79], %broadcast_in_dim3A_47 {strides = array<i32>} : memref<640xf32, #tpu.memory_space<vmem>>, vector<16xf32>,
    %swap3A_81 = arith.constant 272 : index
    %swap3A_82 = tpu.vector_load %arg9[%swap3A_81] {strides = array<i32>} : memref<640xf32, #tpu.memory_space<vmem>>, vector<16xf32>,
    tpu.vector_store %arg9[%swap3A_81], %broadcast_in_dim3A_47 {strides = array<i32>} : memref<640xf32, #tpu.memory_space<vmem>>, vector<16xf32>,
    %swap3A_83 = arith.constant 288 : index
    %swap3A_84 = tpu.vector_load %arg9[%swap3A_83] {strides = array<i32>} : memref<640xf32, #tpu.memory_space<vmem>>, vector<16xf32>,
    tpu.vector_store %arg9[%swap3A_83], %broadcast_in_dim3A_47 {strides = array<i32>} : memref<640xf32, #tpu.memory_space<vmem>>, vector<16xf32>,
    %swap3A_85 = arith.constant 304 : index
    %swap3A_86 = tpu.vector_load %arg9[%swap3A_85] {strides = array<i32>} : memref<640xf32, #tpu.memory_space<vmem>>, vector<16xf32>,
    tpu.vector_store %arg9[%swap3A_85], %broadcast_in_dim3A_47 {strides = array<i32>} : memref<640xf32, #tpu.memory_space<vmem>>, vector<16xf32>,
    %swap3A_87 = arith.constant 320 : index
    %swap3A_88 = tpu.vector_load %arg9[%swap3A_87] {strides = array<i32>} : memref<640xf32, #tpu.memory_space<vmem>>, vector<16xf32>,
    tpu.vector_store %arg9[%swap3A_87], %broadcast_in_dim3A_47 {strides = array<i32>} : memref<640xf32, #tpu.memory_space<vmem>>, vector<16xf32>,
    %swap3A_89 = arith.constant 336 : index
    %swap3A_90 = tpu.vector_load %arg9[%swap3A_89] {strides = array<i32>} : memref<640xf32, #tpu.memory_space<vmem>>, vector<16xf32>,
    tpu.vector_store %arg9[%swap3A_89], %broadcast_in_dim3A_47 {strides = array<i32>} : memref<640xf32, #tpu.memory_space<vmem>>, vector<16xf32>,
    %swap3A_91 = arith.constant 352 : index
    %swap3A_92 = tpu.vector_load %arg9[%swap3A_91] {strides = array<i32>} : memref<640xf32, #tpu.memory_space<vmem>>, vector<16xf32>,
    tpu.vector_store %arg9[%swap3A_91], %broadcast_in_dim3A_47 {strides = array<i32>} : memref<640xf32, #tpu.memory_space<vmem>>, vector<16xf32>,
    %swap3A_93 = arith.constant 368 : index
    %swap3A_94 = tpu.vector_load %arg9[%swap3A_93] {strides = array<i32>} : memref<640xf32, #tpu.memory_space<vmem>>, vector<16xf32>,
    tpu.vector_store %arg9[%swap3A_93], %broadcast_in_dim3A_47 {strides = array<i32>} : memref<640xf32, #tpu.memory_space<vmem>>, vector<16xf32>,
    %swap3A_95 = arith.constant 384 : index
    %swap3A_96 = tpu.vector_load %arg9[%swap3A_95] {strides = array<i32>} : memref<640xf32, #tpu.memory_space<vmem>>, vector<16xf32>,
    tpu.vector_store %arg9[%swap3A_95], %broadcast_in_dim3A_47 {strides = array<i32>} : memref<640xf32, #tpu.memory_space<vmem>>, vector<16xf32>,
    %swap3A_97 = arith.constant 400 : index
    %swap3A_98 = tpu.vector_load %arg9[%swap3A_97] {strides = array<i32>} : memref<640xf32, #tpu.memory_space<vmem>>, vector<16xf32>,
    tpu.vector_store %arg9[%swap3A_97], %broadcast_in_dim3A_47 {strides = array<i32>} : memref<640xf32, #tpu.memory_space<vmem>>, vector<16xf32>,
    %swap3A_99 = arith.constant 416 : index
    %swap3A_100 = tpu.vector_load %arg9[%swap3A_99] {strides = array<i32>} : memref<640xf32, #tpu.memory_space<vmem>>, vector<16xf32>,
    tpu.vector_store %arg9[%swap3A_99], %broadcast_in_dim3A_47 {strides = array<i32>} : memref<640xf32, #tpu.memory_space<vmem>>, vector<16xf32>,
    %swap3A_101 = arith.constant 432 : index
    %swap3A_102 = tpu.vector_load %arg9[%swap3A_101] {strides = array<i32>} : memref<640xf32, #tpu.memory_space<vmem>>, vector<16xf32>,
    tpu.vector_store %arg9[%swap3A_101], %broadcast_in_dim3A_47 {strides = array<i32>} : memref<640xf32, #tpu.memory_space<vmem>>, vector<16xf32>,
    %swap3A_103 = arith.constant 448 : index
    %swap3A_104 = tpu.vector_load %arg9[%swap3A_103] {strides = array<i32>} : memref<640xf32, #tpu.memory_space<vmem>>, vector<16xf32>,
    tpu.vector_store %arg9[%swap3A_103], %broadcast_in_dim3A_47 {strides = array<i32>} : memref<640xf32, #tpu.memory_space<vmem>>, vector<16xf32>,
    %swap3A_105 = arith.constant 464 : index
    %swap3A_106 = tpu.vector_load %arg9[%swap3A_105] {strides = array<i32>} : memref<640xf32, #tpu.memory_space<vmem>>, vector<16xf32>,
    tpu.vector_store %arg9[%swap3A_105], %broadcast_in_dim3A_47 {strides = array<i32>} : memref<640xf32, #tpu.memory_space<vmem>>, vector<16xf32>,
    %swap3A_107 = arith.constant 480 : index
    %swap3A_108 = tpu.vector_load %arg9[%swap3A_107] {strides = array<i32>} : memref<640xf32, #tpu.memory_space<vmem>>, vector<16xf32>,
    tpu.vector_store %arg9[%swap3A_107], %broadcast_in_dim3A_47 {strides = array<i32>} : memref<640xf32, #tpu.memory_space<vmem>>, vector<16xf32>,
    %swap3A_109 = arith.constant 496 : index
    %swap3A_110 = tpu.vector_load %arg9[%swap3A_109] {strides = array<i32>} : memref<640xf32, #tpu.memory_space<vmem>>, vector<16xf32>,
    tpu.vector_store %arg9[%swap3A_109], %broadcast_in_dim3A_47 {strides = array<i32>} : memref<640xf32, #tpu.memory_space<vmem>>, vector<16xf32>,
    %swap3A_111 = arith.constant 512 : index
    %swap3A_112 = tpu.vector_load %arg9[%swap3A_111] {strides = array<i32>} : memref<640xf32, #tpu.memory_space<vmem>>, vector<16xf32>,
    tpu.vector_store %arg9[%swap3A_111], %broadcast_in_dim3A_47 {strides = array<i32>} : memref<640xf32, #tpu.memory_space<vmem>>, vector<16xf32>,
    %swap3A_113 = arith.constant 528 : index
    %swap3A_114 = tpu.vector_load %arg9[%swap3A_113] {strides = array<i32>} : memref<640xf32, #tpu.memory_space<vmem>>, vector<16xf32>,
    tpu.vector_store %arg9[%swap3A_113], %broadcast_in_dim3A_47 {strides = array<i32>} : memref<640xf32, #tpu.memory_space<vmem>>, vector<16xf32>,
    %swap3A_115 = arith.constant 544 : index
    %swap3A_116 = tpu.vector_load %arg9[%swap3A_115] {strides = array<i32>} : memref<640xf32, #tpu.memory_space<vmem>>, vector<16xf32>,
    tpu.vector_store %arg9[%swap3A_115], %broadcast_in_dim3A_47 {strides = array<i32>} : memref<640xf32, #tpu.memory_space<vmem>>, vector<16xf32>,
    %swap3A_117 = arith.constant 560 : index
    %swap3A_118 = tpu.vector_load %arg9[%swap3A_117] {strides = array<i32>} : memref<640xf32, #tpu.memory_space<vmem>>, vector<16xf32>,
    tpu.vector_store %arg9[%swap3A_117], %broadcast_in_dim3A_47 {strides = array<i32>} : memref<640xf32, #tpu.memory_space<vmem>>, vector<16xf32>,
    %swap3A_119 = arith.constant 576 : index
    %swap3A_120 = tpu.vector_load %arg9[%swap3A_119] {strides = array<i32>} : memref<640xf32, #tpu.memory_space<vmem>>, vector<16xf32>,
    tpu.vector_store %arg9[%swap3A_119], %broadcast_in_dim3A_47 {strides = array<i32>} : memref<640xf32, #tpu.memory_space<vmem>>, vector<16xf32>,
    %swap3A_121 = arith.constant 592 : index
    %swap3A_122 = tpu.vector_load %arg9[%swap3A_121] {strides = array<i32>} : memref<640xf32, #tpu.memory_space<vmem>>, vector<16xf32>,
    tpu.vector_store %arg9[%swap3A_121], %broadcast_in_dim3A_47 {strides = array<i32>} : memref<640xf32, #tpu.memory_space<vmem>>, vector<16xf32>,
    %swap3A_123 = arith.constant 608 : index
    %swap3A_124 = tpu.vector_load %arg9[%swap3A_123] {strides = array<i32>} : memref<640xf32, #tpu.memory_space<vmem>>, vector<16xf32>,
    tpu.vector_store %arg9[%swap3A_123], %broadcast_in_dim3A_47 {strides = array<i32>} : memref<640xf32, #tpu.memory_space<vmem>>, vector<16xf32>,
    %swap3A_125 = arith.constant 624 : index
    %swap3A_126 = tpu.vector_load %arg9[%swap3A_125] {strides = array<i32>} : memref<640xf32, #tpu.memory_space<vmem>>, vector<16xf32>,
    tpu.vector_store %arg9[%swap3A_125], %broadcast_in_dim3A_47 {strides = array<i32>} : memref<640xf32, #tpu.memory_space<vmem>>, vector<16xf32>,
    %broadcast_in_dim3A_127 = arith.constant 1.000000e+00 : f32
    %broadcast_in_dim3A_128 = vector.broadcast %broadcast_in_dim3A_127 : f32 to vector<16xf32>
    %dma_wait3A = arith.constant 0 : i32
    %dma_wait3A_129 = arith.constant 0 : i32
    %dma_wait3A_130 = tpu.memref_slice %arg8[%dma_wait3A_129] : memref<2560xi32, #tpu.memory_space<vmem>> -> memref<512xi32, #tpu.memory_space<vmem>>
    %dma_wait3A_131 = tpu.memref_slice %arg2[%mul3A_2] : memref<16384xi32, #tpu.memory_space<hbm>> -> memref<512xi32, #tpu.memory_space<hbm>>
    %dma_wait3A_132 = tpu.memref_slice %arg10[%dma_wait3A] : memref<5x!tpu.dma_semaphore, #tpu.memory_space<semaphore_mem>> -> memref<1x!tpu.dma_semaphore, #tpu.memory_space<semaphore_mem>>
    %dma_wait3A_133 = tpu.memref_squeeze %dma_wait3A_132 : memref<1x!tpu.dma_semaphore, #tpu.memory_space<semaphore_mem>> -> memref<!tpu.dma_semaphore, #tpu.memory_space<semaphore_mem>>
    %dma_wait3A_134 = arith.constant 0 : i32
    %dma_wait3A_135 = tpu.memref_slice %arg8[%dma_wait3A_134] : memref<2560xi32, #tpu.memory_space<vmem>> -> memref<512xi32, #tpu.memory_space<vmem>>
    %dma_wait3A_136 = tpu.memref_slice %arg2[%mul3A_2] : memref<16384xi32, #tpu.memory_space<hbm>> -> memref<512xi32, #tpu.memory_space<hbm>>
    tpu.wait_dma2 semaphore(%dma_wait3A_133 : memref<!tpu.dma_semaphore, #tpu.memory_space<semaphore_mem>>) src(%dma_wait3A_136 : memref<512xi32, #tpu.memory_space<hbm>>) dst(%dma_wait3A_135 : memref<512xi32, #tpu.memory_space<vmem>>)
    %get3A = arith.constant 0 : index
    %get3A_137 = tpu.vector_load %arg8[%get3A] {strides = array<i32>} : memref<2560xi32, #tpu.memory_space<vmem>>, vector<16xi32>,
    %add3A_138 = arith.constant 0 : i32
    %add3A_139 = vector.broadcast %add3A_138 : i32 to vector<16xi32>
    %add3A_140 = arith.addi %get3A_137, %add3A_139 : vector<16xi32>
    tpu.vector_store_idx %arg9[%add3A_140], %broadcast_in_dim3A_128 {add = true} : memref<640xf32, #tpu.memory_space<vmem>>[vector<16xi32>], vector<16xf32>,
    %get3A_141 = arith.constant 16 : index
    %get3A_142 = tpu.vector_load %arg8[%get3A_141] {strides = array<i32>} : memref<2560xi32, #tpu.memory_space<vmem>>, vector<16xi32>,
    %add3A_143 = arith.constant 0 : i32
    %add3A_144 = vector.broadcast %add3A_143 : i32 to vector<16xi32>
    %add3A_145 = arith.addi %get3A_142, %add3A_144 : vector<16xi32>
    tpu.vector_store_idx %arg9[%add3A_145], %broadcast_in_dim3A_128 {add = true} : memref<640xf32, #tpu.memory_space<vmem>>[vector<16xi32>], vector<16xf32>,
    %get3A_146 = arith.constant 32 : index
    %get3A_147 = tpu.vector_load %arg8[%get3A_146] {strides = array<i32>} : memref<2560xi32, #tpu.memory_space<vmem>>, vector<16xi32>,
    %add3A_148 = arith.constant 0 : i32
    %add3A_149 = vector.broadcast %add3A_148 : i32 to vector<16xi32>
    %add3A_150 = arith.addi %get3A_147, %add3A_149 : vector<16xi32>
    tpu.vector_store_idx %arg9[%add3A_150], %broadcast_in_dim3A_128 {add = true} : memref<640xf32, #tpu.memory_space<vmem>>[vector<16xi32>], vector<16xf32>,
    %get3A_151 = arith.constant 48 : index
    %get3A_152 = tpu.vector_load %arg8[%get3A_151] {strides = array<i32>} : memref<2560xi32, #tpu.memory_space<vmem>>, vector<16xi32>,
    %add3A_153 = arith.constant 0 : i32
    %add3A_154 = vector.broadcast %add3A_153 : i32 to vector<16xi32>
    %add3A_155 = arith.addi %get3A_152, %add3A_154 : vector<16xi32>
    tpu.vector_store_idx %arg9[%add3A_155], %broadcast_in_dim3A_128 {add = true} : memref<640xf32, #tpu.memory_space<vmem>>[vector<16xi32>], vector<16xf32>,
    %get3A_156 = arith.constant 64 : index
    %get3A_157 = tpu.vector_load %arg8[%get3A_156] {strides = array<i32>} : memref<2560xi32, #tpu.memory_space<vmem>>, vector<16xi32>,
    %add3A_158 = arith.constant 0 : i32
    %add3A_159 = vector.broadcast %add3A_158 : i32 to vector<16xi32>
    %add3A_160 = arith.addi %get3A_157, %add3A_159 : vector<16xi32>
    tpu.vector_store_idx %arg9[%add3A_160], %broadcast_in_dim3A_128 {add = true} : memref<640xf32, #tpu.memory_space<vmem>>[vector<16xi32>], vector<16xf32>,
    %get3A_161 = arith.constant 80 : index
    %get3A_162 = tpu.vector_load %arg8[%get3A_161] {strides = array<i32>} : memref<2560xi32, #tpu.memory_space<vmem>>, vector<16xi32>,
    %add3A_163 = arith.constant 0 : i32
    %add3A_164 = vector.broadcast %add3A_163 : i32 to vector<16xi32>
    %add3A_165 = arith.addi %get3A_162, %add3A_164 : vector<16xi32>
    tpu.vector_store_idx %arg9[%add3A_165], %broadcast_in_dim3A_128 {add = true} : memref<640xf32, #tpu.memory_space<vmem>>[vector<16xi32>], vector<16xf32>,
    %get3A_166 = arith.constant 96 : index
    %get3A_167 = tpu.vector_load %arg8[%get3A_166] {strides = array<i32>} : memref<2560xi32, #tpu.memory_space<vmem>>, vector<16xi32>,
    %add3A_168 = arith.constant 0 : i32
    %add3A_169 = vector.broadcast %add3A_168 : i32 to vector<16xi32>
    %add3A_170 = arith.addi %get3A_167, %add3A_169 : vector<16xi32>
    tpu.vector_store_idx %arg9[%add3A_170], %broadcast_in_dim3A_128 {add = true} : memref<640xf32, #tpu.memory_space<vmem>>[vector<16xi32>], vector<16xf32>,
    %get3A_171 = arith.constant 112 : index
    %get3A_172 = tpu.vector_load %arg8[%get3A_171] {strides = array<i32>} : memref<2560xi32, #tpu.memory_space<vmem>>, vector<16xi32>,
    %add3A_173 = arith.constant 0 : i32
    %add3A_174 = vector.broadcast %add3A_173 : i32 to vector<16xi32>
    %add3A_175 = arith.addi %get3A_172, %add3A_174 : vector<16xi32>
    tpu.vector_store_idx %arg9[%add3A_175], %broadcast_in_dim3A_128 {add = true} : memref<640xf32, #tpu.memory_space<vmem>>[vector<16xi32>], vector<16xf32>,
    %get3A_176 = arith.constant 128 : index
    %get3A_177 = tpu.vector_load %arg8[%get3A_176] {strides = array<i32>} : memref<2560xi32, #tpu.memory_space<vmem>>, vector<16xi32>,
    %add3A_178 = arith.constant 0 : i32
    %add3A_179 = vector.broadcast %add3A_178 : i32 to vector<16xi32>
    %add3A_180 = arith.addi %get3A_177, %add3A_179 : vector<16xi32>
    tpu.vector_store_idx %arg9[%add3A_180], %broadcast_in_dim3A_128 {add = true} : memref<640xf32, #tpu.memory_space<vmem>>[vector<16xi32>], vector<16xf32>,
    %get3A_181 = arith.constant 144 : index
    %get3A_182 = tpu.vector_load %arg8[%get3A_181] {strides = array<i32>} : memref<2560xi32, #tpu.memory_space<vmem>>, vector<16xi32>,
    %add3A_183 = arith.constant 0 : i32
    %add3A_184 = vector.broadcast %add3A_183 : i32 to vector<16xi32>
    %add3A_185 = arith.addi %get3A_182, %add3A_184 : vector<16xi32>
    tpu.vector_store_idx %arg9[%add3A_185], %broadcast_in_dim3A_128 {add = true} : memref<640xf32, #tpu.memory_space<vmem>>[vector<16xi32>], vector<16xf32>,
    %get3A_186 = arith.constant 160 : index
    %get3A_187 = tpu.vector_load %arg8[%get3A_186] {strides = array<i32>} : memref<2560xi32, #tpu.memory_space<vmem>>, vector<16xi32>,
    %add3A_188 = arith.constant 0 : i32
    %add3A_189 = vector.broadcast %add3A_188 : i32 to vector<16xi32>
    %add3A_190 = arith.addi %get3A_187, %add3A_189 : vector<16xi32>
    tpu.vector_store_idx %arg9[%add3A_190], %broadcast_in_dim3A_128 {add = true} : memref<640xf32, #tpu.memory_space<vmem>>[vector<16xi32>], vector<16xf32>,
    %get3A_191 = arith.constant 176 : index
    %get3A_192 = tpu.vector_load %arg8[%get3A_191] {strides = array<i32>} : memref<2560xi32, #tpu.memory_space<vmem>>, vector<16xi32>,
    %add3A_193 = arith.constant 0 : i32
    %add3A_194 = vector.broadcast %add3A_193 : i32 to vector<16xi32>
    %add3A_195 = arith.addi %get3A_192, %add3A_194 : vector<16xi32>
    tpu.vector_store_idx %arg9[%add3A_195], %broadcast_in_dim3A_128 {add = true} : memref<640xf32, #tpu.memory_space<vmem>>[vector<16xi32>], vector<16xf32>,
    %get3A_196 = arith.constant 192 : index
    %get3A_197 = tpu.vector_load %arg8[%get3A_196] {strides = array<i32>} : memref<2560xi32, #tpu.memory_space<vmem>>, vector<16xi32>,
    %add3A_198 = arith.constant 0 : i32
    %add3A_199 = vector.broadcast %add3A_198 : i32 to vector<16xi32>
    %add3A_200 = arith.addi %get3A_197, %add3A_199 : vector<16xi32>
    tpu.vector_store_idx %arg9[%add3A_200], %broadcast_in_dim3A_128 {add = true} : memref<640xf32, #tpu.memory_space<vmem>>[vector<16xi32>], vector<16xf32>,
    %get3A_201 = arith.constant 208 : index
    %get3A_202 = tpu.vector_load %arg8[%get3A_201] {strides = array<i32>} : memref<2560xi32, #tpu.memory_space<vmem>>, vector<16xi32>,
    %add3A_203 = arith.constant 0 : i32
    %add3A_204 = vector.broadcast %add3A_203 : i32 to vector<16xi32>
    %add3A_205 = arith.addi %get3A_202, %add3A_204 : vector<16xi32>
    tpu.vector_store_idx %arg9[%add3A_205], %broadcast_in_dim3A_128 {add = true} : memref<640xf32, #tpu.memory_space<vmem>>[vector<16xi32>], vector<16xf32>,
    %get3A_206 = arith.constant 224 : index
    %get3A_207 = tpu.vector_load %arg8[%get3A_206] {strides = array<i32>} : memref<2560xi32, #tpu.memory_space<vmem>>, vector<16xi32>,
    %add3A_208 = arith.constant 0 : i32
    %add3A_209 = vector.broadcast %add3A_208 : i32 to vector<16xi32>
    %add3A_210 = arith.addi %get3A_207, %add3A_209 : vector<16xi32>
    tpu.vector_store_idx %arg9[%add3A_210], %broadcast_in_dim3A_128 {add = true} : memref<640xf32, #tpu.memory_space<vmem>>[vector<16xi32>], vector<16xf32>,
    %get3A_211 = arith.constant 240 : index
    %get3A_212 = tpu.vector_load %arg8[%get3A_211] {strides = array<i32>} : memref<2560xi32, #tpu.memory_space<vmem>>, vector<16xi32>,
    %add3A_213 = arith.constant 0 : i32
    %add3A_214 = vector.broadcast %add3A_213 : i32 to vector<16xi32>
    %add3A_215 = arith.addi %get3A_212, %add3A_214 : vector<16xi32>
    tpu.vector_store_idx %arg9[%add3A_215], %broadcast_in_dim3A_128 {add = true} : memref<640xf32, #tpu.memory_space<vmem>>[vector<16xi32>], vector<16xf32>,
    %get3A_216 = arith.constant 256 : index
    %get3A_217 = tpu.vector_load %arg8[%get3A_216] {strides = array<i32>} : memref<2560xi32, #tpu.memory_space<vmem>>, vector<16xi32>,
    %add3A_218 = arith.constant 0 : i32
    %add3A_219 = vector.broadcast %add3A_218 : i32 to vector<16xi32>
    %add3A_220 = arith.addi %get3A_217, %add3A_219 : vector<16xi32>
    tpu.vector_store_idx %arg9[%add3A_220], %broadcast_in_dim3A_128 {add = true} : memref<640xf32, #tpu.memory_space<vmem>>[vector<16xi32>], vector<16xf32>,
    %get3A_221 = arith.constant 272 : index
    %get3A_222 = tpu.vector_load %arg8[%get3A_221] {strides = array<i32>} : memref<2560xi32, #tpu.memory_space<vmem>>, vector<16xi32>,
    %add3A_223 = arith.constant 0 : i32
    %add3A_224 = vector.broadcast %add3A_223 : i32 to vector<16xi32>
    %add3A_225 = arith.addi %get3A_222, %add3A_224 : vector<16xi32>
    tpu.vector_store_idx %arg9[%add3A_225], %broadcast_in_dim3A_128 {add = true} : memref<640xf32, #tpu.memory_space<vmem>>[vector<16xi32>], vector<16xf32>,
    %get3A_226 = arith.constant 288 : index
    %get3A_227 = tpu.vector_load %arg8[%get3A_226] {strides = array<i32>} : memref<2560xi32, #tpu.memory_space<vmem>>, vector<16xi32>,
    %add3A_228 = arith.constant 0 : i32
    %add3A_229 = vector.broadcast %add3A_228 : i32 to vector<16xi32>
    %add3A_230 = arith.addi %get3A_227, %add3A_229 : vector<16xi32>
    tpu.vector_store_idx %arg9[%add3A_230], %broadcast_in_dim3A_128 {add = true} : memref<640xf32, #tpu.memory_space<vmem>>[vector<16xi32>], vector<16xf32>,
    %get3A_231 = arith.constant 304 : index
    %get3A_232 = tpu.vector_load %arg8[%get3A_231] {strides = array<i32>} : memref<2560xi32, #tpu.memory_space<vmem>>, vector<16xi32>,
    %add3A_233 = arith.constant 0 : i32
    %add3A_234 = vector.broadcast %add3A_233 : i32 to vector<16xi32>
    %add3A_235 = arith.addi %get3A_232, %add3A_234 : vector<16xi32>
    tpu.vector_store_idx %arg9[%add3A_235], %broadcast_in_dim3A_128 {add = true} : memref<640xf32, #tpu.memory_space<vmem>>[vector<16xi32>], vector<16xf32>,
    %get3A_236 = arith.constant 320 : index
    %get3A_237 = tpu.vector_load %arg8[%get3A_236] {strides = array<i32>} : memref<2560xi32, #tpu.memory_space<vmem>>, vector<16xi32>,
    %add3A_238 = arith.constant 0 : i32
    %add3A_239 = vector.broadcast %add3A_238 : i32 to vector<16xi32>
    %add3A_240 = arith.addi %get3A_237, %add3A_239 : vector<16xi32>
    tpu.vector_store_idx %arg9[%add3A_240], %broadcast_in_dim3A_128 {add = true} : memref<640xf32, #tpu.memory_space<vmem>>[vector<16xi32>], vector<16xf32>,
    %get3A_241 = arith.constant 336 : index
    %get3A_242 = tpu.vector_load %arg8[%get3A_241] {strides = array<i32>} : memref<2560xi32, #tpu.memory_space<vmem>>, vector<16xi32>,
    %add3A_243 = arith.constant 0 : i32
    %add3A_244 = vector.broadcast %add3A_243 : i32 to vector<16xi32>
    %add3A_245 = arith.addi %get3A_242, %add3A_244 : vector<16xi32>
    tpu.vector_store_idx %arg9[%add3A_245], %broadcast_in_dim3A_128 {add = true} : memref<640xf32, #tpu.memory_space<vmem>>[vector<16xi32>], vector<16xf32>,
    %get3A_246 = arith.constant 352 : index
    %get3A_247 = tpu.vector_load %arg8[%get3A_246] {strides = array<i32>} : memref<2560xi32, #tpu.memory_space<vmem>>, vector<16xi32>,
    %add3A_248 = arith.constant 0 : i32
    %add3A_249 = vector.broadcast %add3A_248 : i32 to vector<16xi32>
    %add3A_250 = arith.addi %get3A_247, %add3A_249 : vector<16xi32>
    tpu.vector_store_idx %arg9[%add3A_250], %broadcast_in_dim3A_128 {add = true} : memref<640xf32, #tpu.memory_space<vmem>>[vector<16xi32>], vector<16xf32>,
    %get3A_251 = arith.constant 368 : index
    %get3A_252 = tpu.vector_load %arg8[%get3A_251] {strides = array<i32>} : memref<2560xi32, #tpu.memory_space<vmem>>, vector<16xi32>,
    %add3A_253 = arith.constant 0 : i32
    %add3A_254 = vector.broadcast %add3A_253 : i32 to vector<16xi32>
    %add3A_255 = arith.addi %get3A_252, %add3A_254 : vector<16xi32>
    tpu.vector_store_idx %arg9[%add3A_255], %broadcast_in_dim3A_128 {add = true} : memref<640xf32, #tpu.memory_space<vmem>>[vector<16xi32>], vector<16xf32>,
    %get3A_256 = arith.constant 384 : index
    %get3A_257 = tpu.vector_load %arg8[%get3A_256] {strides = array<i32>} : memref<2560xi32, #tpu.memory_space<vmem>>, vector<16xi32>,
    %add3A_258 = arith.constant 0 : i32
    %add3A_259 = vector.broadcast %add3A_258 : i32 to vector<16xi32>
    %add3A_260 = arith.addi %get3A_257, %add3A_259 : vector<16xi32>
    tpu.vector_store_idx %arg9[%add3A_260], %broadcast_in_dim3A_128 {add = true} : memref<640xf32, #tpu.memory_space<vmem>>[vector<16xi32>], vector<16xf32>,
    %get3A_261 = arith.constant 400 : index
    %get3A_262 = tpu.vector_load %arg8[%get3A_261] {strides = array<i32>} : memref<2560xi32, #tpu.memory_space<vmem>>, vector<16xi32>,
    %add3A_263 = arith.constant 0 : i32
    %add3A_264 = vector.broadcast %add3A_263 : i32 to vector<16xi32>
    %add3A_265 = arith.addi %get3A_262, %add3A_264 : vector<16xi32>
    tpu.vector_store_idx %arg9[%add3A_265], %broadcast_in_dim3A_128 {add = true} : memref<640xf32, #tpu.memory_space<vmem>>[vector<16xi32>], vector<16xf32>,
    %get3A_266 = arith.constant 416 : index
    %get3A_267 = tpu.vector_load %arg8[%get3A_266] {strides = array<i32>} : memref<2560xi32, #tpu.memory_space<vmem>>, vector<16xi32>,
    %add3A_268 = arith.constant 0 : i32
    %add3A_269 = vector.broadcast %add3A_268 : i32 to vector<16xi32>
    %add3A_270 = arith.addi %get3A_267, %add3A_269 : vector<16xi32>
    tpu.vector_store_idx %arg9[%add3A_270], %broadcast_in_dim3A_128 {add = true} : memref<640xf32, #tpu.memory_space<vmem>>[vector<16xi32>], vector<16xf32>,
    %get3A_271 = arith.constant 432 : index
    %get3A_272 = tpu.vector_load %arg8[%get3A_271] {strides = array<i32>} : memref<2560xi32, #tpu.memory_space<vmem>>, vector<16xi32>,
    %add3A_273 = arith.constant 0 : i32
    %add3A_274 = vector.broadcast %add3A_273 : i32 to vector<16xi32>
    %add3A_275 = arith.addi %get3A_272, %add3A_274 : vector<16xi32>
    tpu.vector_store_idx %arg9[%add3A_275], %broadcast_in_dim3A_128 {add = true} : memref<640xf32, #tpu.memory_space<vmem>>[vector<16xi32>], vector<16xf32>,
    %get3A_276 = arith.constant 448 : index
    %get3A_277 = tpu.vector_load %arg8[%get3A_276] {strides = array<i32>} : memref<2560xi32, #tpu.memory_space<vmem>>, vector<16xi32>,
    %add3A_278 = arith.constant 0 : i32
    %add3A_279 = vector.broadcast %add3A_278 : i32 to vector<16xi32>
    %add3A_280 = arith.addi %get3A_277, %add3A_279 : vector<16xi32>
    tpu.vector_store_idx %arg9[%add3A_280], %broadcast_in_dim3A_128 {add = true} : memref<640xf32, #tpu.memory_space<vmem>>[vector<16xi32>], vector<16xf32>,
    %get3A_281 = arith.constant 464 : index
    %get3A_282 = tpu.vector_load %arg8[%get3A_281] {strides = array<i32>} : memref<2560xi32, #tpu.memory_space<vmem>>, vector<16xi32>,
    %add3A_283 = arith.constant 0 : i32
    %add3A_284 = vector.broadcast %add3A_283 : i32 to vector<16xi32>
    %add3A_285 = arith.addi %get3A_282, %add3A_284 : vector<16xi32>
    tpu.vector_store_idx %arg9[%add3A_285], %broadcast_in_dim3A_128 {add = true} : memref<640xf32, #tpu.memory_space<vmem>>[vector<16xi32>], vector<16xf32>,
    %get3A_286 = arith.constant 480 : index
    %get3A_287 = tpu.vector_load %arg8[%get3A_286] {strides = array<i32>} : memref<2560xi32, #tpu.memory_space<vmem>>, vector<16xi32>,
    %add3A_288 = arith.constant 0 : i32
    %add3A_289 = vector.broadcast %add3A_288 : i32 to vector<16xi32>
    %add3A_290 = arith.addi %get3A_287, %add3A_289 : vector<16xi32>
    tpu.vector_store_idx %arg9[%add3A_290], %broadcast_in_dim3A_128 {add = true} : memref<640xf32, #tpu.memory_space<vmem>>[vector<16xi32>], vector<16xf32>,
    %get3A_291 = arith.constant 496 : index
    %get3A_292 = tpu.vector_load %arg8[%get3A_291] {strides = array<i32>} : memref<2560xi32, #tpu.memory_space<vmem>>, vector<16xi32>,
    %add3A_293 = arith.constant 0 : i32
    %add3A_294 = vector.broadcast %add3A_293 : i32 to vector<16xi32>
    %add3A_295 = arith.addi %get3A_292, %add3A_294 : vector<16xi32>
    tpu.vector_store_idx %arg9[%add3A_295], %broadcast_in_dim3A_128 {add = true} : memref<640xf32, #tpu.memory_space<vmem>>[vector<16xi32>], vector<16xf32>,
    %dma_wait3A_296 = arith.constant 1 : i32
    %dma_wait3A_297 = arith.constant 512 : i32
    %dma_wait3A_298 = tpu.memref_slice %arg8[%dma_wait3A_297] : memref<2560xi32, #tpu.memory_space<vmem>> -> memref<512xi32, #tpu.memory_space<vmem>>
    %dma_wait3A_299 = tpu.memref_slice %arg3[%mul3A_2] : memref<16384xi32, #tpu.memory_space<hbm>> -> memref<512xi32, #tpu.memory_space<hbm>>
    %dma_wait3A_300 = tpu.memref_slice %arg10[%dma_wait3A_296] : memref<5x!tpu.dma_semaphore, #tpu.memory_space<semaphore_mem>> -> memref<1x!tpu.dma_semaphore, #tpu.memory_space<semaphore_mem>>
    %dma_wait3A_301 = tpu.memref_squeeze %dma_wait3A_300 : memref<1x!tpu.dma_semaphore, #tpu.memory_space<semaphore_mem>> -> memref<!tpu.dma_semaphore, #tpu.memory_space<semaphore_mem>>
    %dma_wait3A_302 = arith.constant 512 : i32
    %dma_wait3A_303 = tpu.memref_slice %arg8[%dma_wait3A_302] : memref<2560xi32, #tpu.memory_space<vmem>> -> memref<512xi32, #tpu.memory_space<vmem>>
    %dma_wait3A_304 = tpu.memref_slice %arg3[%mul3A_2] : memref<16384xi32, #tpu.memory_space<hbm>> -> memref<512xi32, #tpu.memory_space<hbm>>
    tpu.wait_dma2 semaphore(%dma_wait3A_301 : memref<!tpu.dma_semaphore, #tpu.memory_space<semaphore_mem>>) src(%dma_wait3A_304 : memref<512xi32, #tpu.memory_space<hbm>>) dst(%dma_wait3A_303 : memref<512xi32, #tpu.memory_space<vmem>>)
    %get3A_305 = arith.constant 512 : index
    %get3A_306 = tpu.vector_load %arg8[%get3A_305] {strides = array<i32>} : memref<2560xi32, #tpu.memory_space<vmem>>, vector<16xi32>,
    %add3A_307 = arith.constant 128 : i32
    %add3A_308 = vector.broadcast %add3A_307 : i32 to vector<16xi32>
    %add3A_309 = arith.addi %get3A_306, %add3A_308 : vector<16xi32>
    tpu.vector_store_idx %arg9[%add3A_309], %broadcast_in_dim3A_128 {add = true} : memref<640xf32, #tpu.memory_space<vmem>>[vector<16xi32>], vector<16xf32>,
    %get3A_310 = arith.constant 528 : index
    %get3A_311 = tpu.vector_load %arg8[%get3A_310] {strides = array<i32>} : memref<2560xi32, #tpu.memory_space<vmem>>, vector<16xi32>,
    %add3A_312 = arith.constant 128 : i32
    %add3A_313 = vector.broadcast %add3A_312 : i32 to vector<16xi32>
    %add3A_314 = arith.addi %get3A_311, %add3A_313 : vector<16xi32>
    tpu.vector_store_idx %arg9[%add3A_314], %broadcast_in_dim3A_128 {add = true} : memref<640xf32, #tpu.memory_space<vmem>>[vector<16xi32>], vector<16xf32>,
    %get3A_315 = arith.constant 544 : index
    %get3A_316 = tpu.vector_load %arg8[%get3A_315] {strides = array<i32>} : memref<2560xi32, #tpu.memory_space<vmem>>, vector<16xi32>,
    %add3A_317 = arith.constant 128 : i32
    %add3A_318 = vector.broadcast %add3A_317 : i32 to vector<16xi32>
    %add3A_319 = arith.addi %get3A_316, %add3A_318 : vector<16xi32>
    tpu.vector_store_idx %arg9[%add3A_319], %broadcast_in_dim3A_128 {add = true} : memref<640xf32, #tpu.memory_space<vmem>>[vector<16xi32>], vector<16xf32>,
    %get3A_320 = arith.constant 560 : index
    %get3A_321 = tpu.vector_load %arg8[%get3A_320] {strides = array<i32>} : memref<2560xi32, #tpu.memory_space<vmem>>, vector<16xi32>,
    %add3A_322 = arith.constant 128 : i32
    %add3A_323 = vector.broadcast %add3A_322 : i32 to vector<16xi32>
    %add3A_324 = arith.addi %get3A_321, %add3A_323 : vector<16xi32>
    tpu.vector_store_idx %arg9[%add3A_324], %broadcast_in_dim3A_128 {add = true} : memref<640xf32, #tpu.memory_space<vmem>>[vector<16xi32>], vector<16xf32>,
    %get3A_325 = arith.constant 576 : index
    %get3A_326 = tpu.vector_load %arg8[%get3A_325] {strides = array<i32>} : memref<2560xi32, #tpu.memory_space<vmem>>, vector<16xi32>,
    %add3A_327 = arith.constant 128 : i32
    %add3A_328 = vector.broadcast %add3A_327 : i32 to vector<16xi32>
    %add3A_329 = arith.addi %get3A_326, %add3A_328 : vector<16xi32>
    tpu.vector_store_idx %arg9[%add3A_329], %broadcast_in_dim3A_128 {add = true} : memref<640xf32, #tpu.memory_space<vmem>>[vector<16xi32>], vector<16xf32>,
    %get3A_330 = arith.constant 592 : index
    %get3A_331 = tpu.vector_load %arg8[%get3A_330] {strides = array<i32>} : memref<2560xi32, #tpu.memory_space<vmem>>, vector<16xi32>,
    %add3A_332 = arith.constant 128 : i32
    %add3A_333 = vector.broadcast %add3A_332 : i32 to vector<16xi32>
    %add3A_334 = arith.addi %get3A_331, %add3A_333 : vector<16xi32>
    tpu.vector_store_idx %arg9[%add3A_334], %broadcast_in_dim3A_128 {add = true} : memref<640xf32, #tpu.memory_space<vmem>>[vector<16xi32>], vector<16xf32>,
    %get3A_335 = arith.constant 608 : index
    %get3A_336 = tpu.vector_load %arg8[%get3A_335] {strides = array<i32>} : memref<2560xi32, #tpu.memory_space<vmem>>, vector<16xi32>,
    %add3A_337 = arith.constant 128 : i32
    %add3A_338 = vector.broadcast %add3A_337 : i32 to vector<16xi32>
    %add3A_339 = arith.addi %get3A_336, %add3A_338 : vector<16xi32>
    tpu.vector_store_idx %arg9[%add3A_339], %broadcast_in_dim3A_128 {add = true} : memref<640xf32, #tpu.memory_space<vmem>>[vector<16xi32>], vector<16xf32>,
    %get3A_340 = arith.constant 624 : index
    %get3A_341 = tpu.vector_load %arg8[%get3A_340] {strides = array<i32>} : memref<2560xi32, #tpu.memory_space<vmem>>, vector<16xi32>,
    %add3A_342 = arith.constant 128 : i32
    %add3A_343 = vector.broadcast %add3A_342 : i32 to vector<16xi32>
    %add3A_344 = arith.addi %get3A_341, %add3A_343 : vector<16xi32>
    tpu.vector_store_idx %arg9[%add3A_344], %broadcast_in_dim3A_128 {add = true} : memref<640xf32, #tpu.memory_space<vmem>>[vector<16xi32>], vector<16xf32>,
    %get3A_345 = arith.constant 640 : index
    %get3A_346 = tpu.vector_load %arg8[%get3A_345] {strides = array<i32>} : memref<2560xi32, #tpu.memory_space<vmem>>, vector<16xi32>,
    %add3A_347 = arith.constant 128 : i32
    %add3A_348 = vector.broadcast %add3A_347 : i32 to vector<16xi32>
    %add3A_349 = arith.addi %get3A_346, %add3A_348 : vector<16xi32>
    tpu.vector_store_idx %arg9[%add3A_349], %broadcast_in_dim3A_128 {add = true} : memref<640xf32, #tpu.memory_space<vmem>>[vector<16xi32>], vector<16xf32>,
    %get3A_350 = arith.constant 656 : index
    %get3A_351 = tpu.vector_load %arg8[%get3A_350] {strides = array<i32>} : memref<2560xi32, #tpu.memory_space<vmem>>, vector<16xi32>,
    %add3A_352 = arith.constant 128 : i32
    %add3A_353 = vector.broadcast %add3A_352 : i32 to vector<16xi32>
    %add3A_354 = arith.addi %get3A_351, %add3A_353 : vector<16xi32>
    tpu.vector_store_idx %arg9[%add3A_354], %broadcast_in_dim3A_128 {add = true} : memref<640xf32, #tpu.memory_space<vmem>>[vector<16xi32>], vector<16xf32>,
    %get3A_355 = arith.constant 672 : index
    %get3A_356 = tpu.vector_load %arg8[%get3A_355] {strides = array<i32>} : memref<2560xi32, #tpu.memory_space<vmem>>, vector<16xi32>,
    %add3A_357 = arith.constant 128 : i32
    %add3A_358 = vector.broadcast %add3A_357 : i32 to vector<16xi32>
    %add3A_359 = arith.addi %get3A_356, %add3A_358 : vector<16xi32>
    tpu.vector_store_idx %arg9[%add3A_359], %broadcast_in_dim3A_128 {add = true} : memref<640xf32, #tpu.memory_space<vmem>>[vector<16xi32>], vector<16xf32>,
    %get3A_360 = arith.constant 688 : index
    %get3A_361 = tpu.vector_load %arg8[%get3A_360] {strides = array<i32>} : memref<2560xi32, #tpu.memory_space<vmem>>, vector<16xi32>,
    %add3A_362 = arith.constant 128 : i32
    %add3A_363 = vector.broadcast %add3A_362 : i32 to vector<16xi32>
    %add3A_364 = arith.addi %get3A_361, %add3A_363 : vector<16xi32>
    tpu.vector_store_idx %arg9[%add3A_364], %broadcast_in_dim3A_128 {add = true} : memref<640xf32, #tpu.memory_space<vmem>>[vector<16xi32>], vector<16xf32>,
    %get3A_365 = arith.constant 704 : index
    %get3A_366 = tpu.vector_load %arg8[%get3A_365] {strides = array<i32>} : memref<2560xi32, #tpu.memory_space<vmem>>, vector<16xi32>,
    %add3A_367 = arith.constant 128 : i32
    %add3A_368 = vector.broadcast %add3A_367 : i32 to vector<16xi32>
    %add3A_369 = arith.addi %get3A_366, %add3A_368 : vector<16xi32>
    tpu.vector_store_idx %arg9[%add3A_369], %broadcast_in_dim3A_128 {add = true} : memref<640xf32, #tpu.memory_space<vmem>>[vector<16xi32>], vector<16xf32>,
    %get3A_370 = arith.constant 720 : index
    %get3A_371 = tpu.vector_load %arg8[%get3A_370] {strides = array<i32>} : memref<2560xi32, #tpu.memory_space<vmem>>, vector<16xi32>,
    %add3A_372 = arith.constant 128 : i32
    %add3A_373 = vector.broadcast %add3A_372 : i32 to vector<16xi32>
    %add3A_374 = arith.addi %get3A_371, %add3A_373 : vector<16xi32>
    tpu.vector_store_idx %arg9[%add3A_374], %broadcast_in_dim3A_128 {add = true} : memref<640xf32, #tpu.memory_space<vmem>>[vector<16xi32>], vector<16xf32>,
    %get3A_375 = arith.constant 736 : index
    %get3A_376 = tpu.vector_load %arg8[%get3A_375] {strides = array<i32>} : memref<2560xi32, #tpu.memory_space<vmem>>, vector<16xi32>,
    %add3A_377 = arith.constant 128 : i32
    %add3A_378 = vector.broadcast %add3A_377 : i32 to vector<16xi32>
    %add3A_379 = arith.addi %get3A_376, %add3A_378 : vector<16xi32>
    tpu.vector_store_idx %arg9[%add3A_379], %broadcast_in_dim3A_128 {add = true} : memref<640xf32, #tpu.memory_space<vmem>>[vector<16xi32>], vector<16xf32>,
    %get3A_380 = arith.constant 752 : index
    %get3A_381 = tpu.vector_load %arg8[%get3A_380] {strides = array<i32>} : memref<2560xi32, #tpu.memory_space<vmem>>, vector<16xi32>,
    %add3A_382 = arith.constant 128 : i32
    %add3A_383 = vector.broadcast %add3A_382 : i32 to vector<16xi32>
    %add3A_384 = arith.addi %get3A_381, %add3A_383 : vector<16xi32>
    tpu.vector_store_idx %arg9[%add3A_384], %broadcast_in_dim3A_128 {add = true} : memref<640xf32, #tpu.memory_space<vmem>>[vector<16xi32>], vector<16xf32>,
    %get3A_385 = arith.constant 768 : index
    %get3A_386 = tpu.vector_load %arg8[%get3A_385] {strides = array<i32>} : memref<2560xi32, #tpu.memory_space<vmem>>, vector<16xi32>,
    %add3A_387 = arith.constant 128 : i32
    %add3A_388 = vector.broadcast %add3A_387 : i32 to vector<16xi32>
    %add3A_389 = arith.addi %get3A_386, %add3A_388 : vector<16xi32>
    tpu.vector_store_idx %arg9[%add3A_389], %broadcast_in_dim3A_128 {add = true} : memref<640xf32, #tpu.memory_space<vmem>>[vector<16xi32>], vector<16xf32>,
    %get3A_390 = arith.constant 784 : index
    %get3A_391 = tpu.vector_load %arg8[%get3A_390] {strides = array<i32>} : memref<2560xi32, #tpu.memory_space<vmem>>, vector<16xi32>,
    %add3A_392 = arith.constant 128 : i32
    %add3A_393 = vector.broadcast %add3A_392 : i32 to vector<16xi32>
    %add3A_394 = arith.addi %get3A_391, %add3A_393 : vector<16xi32>
    tpu.vector_store_idx %arg9[%add3A_394], %broadcast_in_dim3A_128 {add = true} : memref<640xf32, #tpu.memory_space<vmem>>[vector<16xi32>], vector<16xf32>,
    %get3A_395 = arith.constant 800 : index
    %get3A_396 = tpu.vector_load %arg8[%get3A_395] {strides = array<i32>} : memref<2560xi32, #tpu.memory_space<vmem>>, vector<16xi32>,
    %add3A_397 = arith.constant 128 : i32
    %add3A_398 = vector.broadcast %add3A_397 : i32 to vector<16xi32>
    %add3A_399 = arith.addi %get3A_396, %add3A_398 : vector<16xi32>
    tpu.vector_store_idx %arg9[%add3A_399], %broadcast_in_dim3A_128 {add = true} : memref<640xf32, #tpu.memory_space<vmem>>[vector<16xi32>], vector<16xf32>,
    %get3A_400 = arith.constant 816 : index
    %get3A_401 = tpu.vector_load %arg8[%get3A_400] {strides = array<i32>} : memref<2560xi32, #tpu.memory_space<vmem>>, vector<16xi32>,
    %add3A_402 = arith.constant 128 : i32
    %add3A_403 = vector.broadcast %add3A_402 : i32 to vector<16xi32>
    %add3A_404 = arith.addi %get3A_401, %add3A_403 : vector<16xi32>
    tpu.vector_store_idx %arg9[%add3A_404], %broadcast_in_dim3A_128 {add = true} : memref<640xf32, #tpu.memory_space<vmem>>[vector<16xi32>], vector<16xf32>,
    %get3A_405 = arith.constant 832 : index
    %get3A_406 = tpu.vector_load %arg8[%get3A_405] {strides = array<i32>} : memref<2560xi32, #tpu.memory_space<vmem>>, vector<16xi32>,
    %add3A_407 = arith.constant 128 : i32
    %add3A_408 = vector.broadcast %add3A_407 : i32 to vector<16xi32>
    %add3A_409 = arith.addi %get3A_406, %add3A_408 : vector<16xi32>
    tpu.vector_store_idx %arg9[%add3A_409], %broadcast_in_dim3A_128 {add = true} : memref<640xf32, #tpu.memory_space<vmem>>[vector<16xi32>], vector<16xf32>,
    %get3A_410 = arith.constant 848 : index
    %get3A_411 = tpu.vector_load %arg8[%get3A_410] {strides = array<i32>} : memref<2560xi32, #tpu.memory_space<vmem>>, vector<16xi32>,
    %add3A_412 = arith.constant 128 : i32
    %add3A_413 = vector.broadcast %add3A_412 : i32 to vector<16xi32>
    %add3A_414 = arith.addi %get3A_411, %add3A_413 : vector<16xi32>
    tpu.vector_store_idx %arg9[%add3A_414], %broadcast_in_dim3A_128 {add = true} : memref<640xf32, #tpu.memory_space<vmem>>[vector<16xi32>], vector<16xf32>,
    %get3A_415 = arith.constant 864 : index
    %get3A_416 = tpu.vector_load %arg8[%get3A_415] {strides = array<i32>} : memref<2560xi32, #tpu.memory_space<vmem>>, vector<16xi32>,
    %add3A_417 = arith.constant 128 : i32
    %add3A_418 = vector.broadcast %add3A_417 : i32 to vector<16xi32>
    %add3A_419 = arith.addi %get3A_416, %add3A_418 : vector<16xi32>
    tpu.vector_store_idx %arg9[%add3A_419], %broadcast_in_dim3A_128 {add = true} : memref<640xf32, #tpu.memory_space<vmem>>[vector<16xi32>], vector<16xf32>,
    %get3A_420 = arith.constant 880 : index
    %get3A_421 = tpu.vector_load %arg8[%get3A_420] {strides = array<i32>} : memref<2560xi32, #tpu.memory_space<vmem>>, vector<16xi32>,
    %add3A_422 = arith.constant 128 : i32
    %add3A_423 = vector.broadcast %add3A_422 : i32 to vector<16xi32>
    %add3A_424 = arith.addi %get3A_421, %add3A_423 : vector<16xi32>
    tpu.vector_store_idx %arg9[%add3A_424], %broadcast_in_dim3A_128 {add = true} : memref<640xf32, #tpu.memory_space<vmem>>[vector<16xi32>], vector<16xf32>,
    %get3A_425 = arith.constant 896 : index
    %get3A_426 = tpu.vector_load %arg8[%get3A_425] {strides = array<i32>} : memref<2560xi32, #tpu.memory_space<vmem>>, vector<16xi32>,
    %add3A_427 = arith.constant 128 : i32
    %add3A_428 = vector.broadcast %add3A_427 : i32 to vector<16xi32>
    %add3A_429 = arith.addi %get3A_426, %add3A_428 : vector<16xi32>
    tpu.vector_store_idx %arg9[%add3A_429], %broadcast_in_dim3A_128 {add = true} : memref<640xf32, #tpu.memory_space<vmem>>[vector<16xi32>], vector<16xf32>,
    %get3A_430 = arith.constant 912 : index
    %get3A_431 = tpu.vector_load %arg8[%get3A_430] {strides = array<i32>} : memref<2560xi32, #tpu.memory_space<vmem>>, vector<16xi32>,
    %add3A_432 = arith.constant 128 : i32
    %add3A_433 = vector.broadcast %add3A_432 : i32 to vector<16xi32>
    %add3A_434 = arith.addi %get3A_431, %add3A_433 : vector<16xi32>
    tpu.vector_store_idx %arg9[%add3A_434], %broadcast_in_dim3A_128 {add = true} : memref<640xf32, #tpu.memory_space<vmem>>[vector<16xi32>], vector<16xf32>,
    %get3A_435 = arith.constant 928 : index
    %get3A_436 = tpu.vector_load %arg8[%get3A_435] {strides = array<i32>} : memref<2560xi32, #tpu.memory_space<vmem>>, vector<16xi32>,
    %add3A_437 = arith.constant 128 : i32
    %add3A_438 = vector.broadcast %add3A_437 : i32 to vector<16xi32>
    %add3A_439 = arith.addi %get3A_436, %add3A_438 : vector<16xi32>
    tpu.vector_store_idx %arg9[%add3A_439], %broadcast_in_dim3A_128 {add = true} : memref<640xf32, #tpu.memory_space<vmem>>[vector<16xi32>], vector<16xf32>,
    %get3A_440 = arith.constant 944 : index
    %get3A_441 = tpu.vector_load %arg8[%get3A_440] {strides = array<i32>} : memref<2560xi32, #tpu.memory_space<vmem>>, vector<16xi32>,
    %add3A_442 = arith.constant 128 : i32
    %add3A_443 = vector.broadcast %add3A_442 : i32 to vector<16xi32>
    %add3A_444 = arith.addi %get3A_441, %add3A_443 : vector<16xi32>
    tpu.vector_store_idx %arg9[%add3A_444], %broadcast_in_dim3A_128 {add = true} : memref<640xf32, #tpu.memory_space<vmem>>[vector<16xi32>], vector<16xf32>,
    %get3A_445 = arith.constant 960 : index
    %get3A_446 = tpu.vector_load %arg8[%get3A_445] {strides = array<i32>} : memref<2560xi32, #tpu.memory_space<vmem>>, vector<16xi32>,
    %add3A_447 = arith.constant 128 : i32
    %add3A_448 = vector.broadcast %add3A_447 : i32 to vector<16xi32>
    %add3A_449 = arith.addi %get3A_446, %add3A_448 : vector<16xi32>
    tpu.vector_store_idx %arg9[%add3A_449], %broadcast_in_dim3A_128 {add = true} : memref<640xf32, #tpu.memory_space<vmem>>[vector<16xi32>], vector<16xf32>,
    %get3A_450 = arith.constant 976 : index
    %get3A_451 = tpu.vector_load %arg8[%get3A_450] {strides = array<i32>} : memref<2560xi32, #tpu.memory_space<vmem>>, vector<16xi32>,
    %add3A_452 = arith.constant 128 : i32
    %add3A_453 = vector.broadcast %add3A_452 : i32 to vector<16xi32>
    %add3A_454 = arith.addi %get3A_451, %add3A_453 : vector<16xi32>
    tpu.vector_store_idx %arg9[%add3A_454], %broadcast_in_dim3A_128 {add = true} : memref<640xf32, #tpu.memory_space<vmem>>[vector<16xi32>], vector<16xf32>,
    %get3A_455 = arith.constant 992 : index
    %get3A_456 = tpu.vector_load %arg8[%get3A_455] {strides = array<i32>} : memref<2560xi32, #tpu.memory_space<vmem>>, vector<16xi32>,
    %add3A_457 = arith.constant 128 : i32
    %add3A_458 = vector.broadcast %add3A_457 : i32 to vector<16xi32>
    %add3A_459 = arith.addi %get3A_456, %add3A_458 : vector<16xi32>
    tpu.vector_store_idx %arg9[%add3A_459], %broadcast_in_dim3A_128 {add = true} : memref<640xf32, #tpu.memory_space<vmem>>[vector<16xi32>], vector<16xf32>,
    %get3A_460 = arith.constant 1008 : index
    %get3A_461 = tpu.vector_load %arg8[%get3A_460] {strides = array<i32>} : memref<2560xi32, #tpu.memory_space<vmem>>, vector<16xi32>,
    %add3A_462 = arith.constant 128 : i32
    %add3A_463 = vector.broadcast %add3A_462 : i32 to vector<16xi32>
    %add3A_464 = arith.addi %get3A_461, %add3A_463 : vector<16xi32>
    tpu.vector_store_idx %arg9[%add3A_464], %broadcast_in_dim3A_128 {add = true} : memref<640xf32, #tpu.memory_space<vmem>>[vector<16xi32>], vector<16xf32>,
    %dma_wait3A_465 = arith.constant 2 : i32
    %dma_wait3A_466 = arith.constant 1024 : i32
    %dma_wait3A_467 = tpu.memref_slice %arg8[%dma_wait3A_466] : memref<2560xi32, #tpu.memory_space<vmem>> -> memref<512xi32, #tpu.memory_space<vmem>>
    %dma_wait3A_468 = tpu.memref_slice %arg4[%mul3A_2] : memref<16384xi32, #tpu.memory_space<hbm>> -> memref<512xi32, #tpu.memory_space<hbm>>
    %dma_wait3A_469 = tpu.memref_slice %arg10[%dma_wait3A_465] : memref<5x!tpu.dma_semaphore, #tpu.memory_space<semaphore_mem>> -> memref<1x!tpu.dma_semaphore, #tpu.memory_space<semaphore_mem>>
    %dma_wait3A_470 = tpu.memref_squeeze %dma_wait3A_469 : memref<1x!tpu.dma_semaphore, #tpu.memory_space<semaphore_mem>> -> memref<!tpu.dma_semaphore, #tpu.memory_space<semaphore_mem>>
    %dma_wait3A_471 = arith.constant 1024 : i32
    %dma_wait3A_472 = tpu.memref_slice %arg8[%dma_wait3A_471] : memref<2560xi32, #tpu.memory_space<vmem>> -> memref<512xi32, #tpu.memory_space<vmem>>
    %dma_wait3A_473 = tpu.memref_slice %arg4[%mul3A_2] : memref<16384xi32, #tpu.memory_space<hbm>> -> memref<512xi32, #tpu.memory_space<hbm>>
    tpu.wait_dma2 semaphore(%dma_wait3A_470 : memref<!tpu.dma_semaphore, #tpu.memory_space<semaphore_mem>>) src(%dma_wait3A_473 : memref<512xi32, #tpu.memory_space<hbm>>) dst(%dma_wait3A_472 : memref<512xi32, #tpu.memory_space<vmem>>)
    %get3A_474 = arith.constant 1024 : index
    %get3A_475 = tpu.vector_load %arg8[%get3A_474] {strides = array<i32>} : memref<2560xi32, #tpu.memory_space<vmem>>, vector<16xi32>,
    %add3A_476 = arith.constant 256 : i32
    %add3A_477 = vector.broadcast %add3A_476 : i32 to vector<16xi32>
    %add3A_478 = arith.addi %get3A_475, %add3A_477 : vector<16xi32>
    tpu.vector_store_idx %arg9[%add3A_478], %broadcast_in_dim3A_128 {add = true} : memref<640xf32, #tpu.memory_space<vmem>>[vector<16xi32>], vector<16xf32>,
    %get3A_479 = arith.constant 1040 : index
    %get3A_480 = tpu.vector_load %arg8[%get3A_479] {strides = array<i32>} : memref<2560xi32, #tpu.memory_space<vmem>>, vector<16xi32>,
    %add3A_481 = arith.constant 256 : i32
    %add3A_482 = vector.broadcast %add3A_481 : i32 to vector<16xi32>
    %add3A_483 = arith.addi %get3A_480, %add3A_482 : vector<16xi32>
    tpu.vector_store_idx %arg9[%add3A_483], %broadcast_in_dim3A_128 {add = true} : memref<640xf32, #tpu.memory_space<vmem>>[vector<16xi32>], vector<16xf32>,
    %get3A_484 = arith.constant 1056 : index
    %get3A_485 = tpu.vector_load %arg8[%get3A_484] {strides = array<i32>} : memref<2560xi32, #tpu.memory_space<vmem>>, vector<16xi32>,
    %add3A_486 = arith.constant 256 : i32
    %add3A_487 = vector.broadcast %add3A_486 : i32 to vector<16xi32>
    %add3A_488 = arith.addi %get3A_485, %add3A_487 : vector<16xi32>
    tpu.vector_store_idx %arg9[%add3A_488], %broadcast_in_dim3A_128 {add = true} : memref<640xf32, #tpu.memory_space<vmem>>[vector<16xi32>], vector<16xf32>,
    %get3A_489 = arith.constant 1072 : index
    %get3A_490 = tpu.vector_load %arg8[%get3A_489] {strides = array<i32>} : memref<2560xi32, #tpu.memory_space<vmem>>, vector<16xi32>,
    %add3A_491 = arith.constant 256 : i32
    %add3A_492 = vector.broadcast %add3A_491 : i32 to vector<16xi32>
    %add3A_493 = arith.addi %get3A_490, %add3A_492 : vector<16xi32>
    tpu.vector_store_idx %arg9[%add3A_493], %broadcast_in_dim3A_128 {add = true} : memref<640xf32, #tpu.memory_space<vmem>>[vector<16xi32>], vector<16xf32>,
    %get3A_494 = arith.constant 1088 : index
    %get3A_495 = tpu.vector_load %arg8[%get3A_494] {strides = array<i32>} : memref<2560xi32, #tpu.memory_space<vmem>>, vector<16xi32>,
    %add3A_496 = arith.constant 256 : i32
    %add3A_497 = vector.broadcast %add3A_496 : i32 to vector<16xi32>
    %add3A_498 = arith.addi %get3A_495, %add3A_497 : vector<16xi32>
    tpu.vector_store_idx %arg9[%add3A_498], %broadcast_in_dim3A_128 {add = true} : memref<640xf32, #tpu.memory_space<vmem>>[vector<16xi32>], vector<16xf32>,
    %get3A_499 = arith.constant 1104 : index
    %get3A_500 = tpu.vector_load %arg8[%get3A_499] {strides = array<i32>} : memref<2560xi32, #tpu.memory_space<vmem>>, vector<16xi32>,
    %add3A_501 = arith.constant 256 : i32
    %add3A_502 = vector.broadcast %add3A_501 : i32 to vector<16xi32>
    %add3A_503 = arith.addi %get3A_500, %add3A_502 : vector<16xi32>
    tpu.vector_store_idx %arg9[%add3A_503], %broadcast_in_dim3A_128 {add = true} : memref<640xf32, #tpu.memory_space<vmem>>[vector<16xi32>], vector<16xf32>,
    %get3A_504 = arith.constant 1120 : index
    %get3A_505 = tpu.vector_load %arg8[%get3A_504] {strides = array<i32>} : memref<2560xi32, #tpu.memory_space<vmem>>, vector<16xi32>,
    %add3A_506 = arith.constant 256 : i32
    %add3A_507 = vector.broadcast %add3A_506 : i32 to vector<16xi32>
    %add3A_508 = arith.addi %get3A_505, %add3A_507 : vector<16xi32>
    tpu.vector_store_idx %arg9[%add3A_508], %broadcast_in_dim3A_128 {add = true} : memref<640xf32, #tpu.memory_space<vmem>>[vector<16xi32>], vector<16xf32>,
    %get3A_509 = arith.constant 1136 : index
    %get3A_510 = tpu.vector_load %arg8[%get3A_509] {strides = array<i32>} : memref<2560xi32, #tpu.memory_space<vmem>>, vector<16xi32>,
    %add3A_511 = arith.constant 256 : i32
    %add3A_512 = vector.broadcast %add3A_511 : i32 to vector<16xi32>
    %add3A_513 = arith.addi %get3A_510, %add3A_512 : vector<16xi32>
    tpu.vector_store_idx %arg9[%add3A_513], %broadcast_in_dim3A_128 {add = true} : memref<640xf32, #tpu.memory_space<vmem>>[vector<16xi32>], vector<16xf32>,
    %get3A_514 = arith.constant 1152 : index
    %get3A_515 = tpu.vector_load %arg8[%get3A_514] {strides = array<i32>} : memref<2560xi32, #tpu.memory_space<vmem>>, vector<16xi32>,
    %add3A_516 = arith.constant 256 : i32
    %add3A_517 = vector.broadcast %add3A_516 : i32 to vector<16xi32>
    %add3A_518 = arith.addi %get3A_515, %add3A_517 : vector<16xi32>
    tpu.vector_store_idx %arg9[%add3A_518], %broadcast_in_dim3A_128 {add = true} : memref<640xf32, #tpu.memory_space<vmem>>[vector<16xi32>], vector<16xf32>,
    %get3A_519 = arith.constant 1168 : index
    %get3A_520 = tpu.vector_load %arg8[%get3A_519] {strides = array<i32>} : memref<2560xi32, #tpu.memory_space<vmem>>, vector<16xi32>,
    %add3A_521 = arith.constant 256 : i32
    %add3A_522 = vector.broadcast %add3A_521 : i32 to vector<16xi32>
    %add3A_523 = arith.addi %get3A_520, %add3A_522 : vector<16xi32>
    tpu.vector_store_idx %arg9[%add3A_523], %broadcast_in_dim3A_128 {add = true} : memref<640xf32, #tpu.memory_space<vmem>>[vector<16xi32>], vector<16xf32>,
    %get3A_524 = arith.constant 1184 : index
    %get3A_525 = tpu.vector_load %arg8[%get3A_524] {strides = array<i32>} : memref<2560xi32, #tpu.memory_space<vmem>>, vector<16xi32>,
    %add3A_526 = arith.constant 256 : i32
    %add3A_527 = vector.broadcast %add3A_526 : i32 to vector<16xi32>
    %add3A_528 = arith.addi %get3A_525, %add3A_527 : vector<16xi32>
    tpu.vector_store_idx %arg9[%add3A_528], %broadcast_in_dim3A_128 {add = true} : memref<640xf32, #tpu.memory_space<vmem>>[vector<16xi32>], vector<16xf32>,
    %get3A_529 = arith.constant 1200 : index
    %get3A_530 = tpu.vector_load %arg8[%get3A_529] {strides = array<i32>} : memref<2560xi32, #tpu.memory_space<vmem>>, vector<16xi32>,
    %add3A_531 = arith.constant 256 : i32
    %add3A_532 = vector.broadcast %add3A_531 : i32 to vector<16xi32>
    %add3A_533 = arith.addi %get3A_530, %add3A_532 : vector<16xi32>
    tpu.vector_store_idx %arg9[%add3A_533], %broadcast_in_dim3A_128 {add = true} : memref<640xf32, #tpu.memory_space<vmem>>[vector<16xi32>], vector<16xf32>,
    %get3A_534 = arith.constant 1216 : index
    %get3A_535 = tpu.vector_load %arg8[%get3A_534] {strides = array<i32>} : memref<2560xi32, #tpu.memory_space<vmem>>, vector<16xi32>,
    %add3A_536 = arith.constant 256 : i32
    %add3A_537 = vector.broadcast %add3A_536 : i32 to vector<16xi32>
    %add3A_538 = arith.addi %get3A_535, %add3A_537 : vector<16xi32>
    tpu.vector_store_idx %arg9[%add3A_538], %broadcast_in_dim3A_128 {add = true} : memref<640xf32, #tpu.memory_space<vmem>>[vector<16xi32>], vector<16xf32>,
    %get3A_539 = arith.constant 1232 : index
    %get3A_540 = tpu.vector_load %arg8[%get3A_539] {strides = array<i32>} : memref<2560xi32, #tpu.memory_space<vmem>>, vector<16xi32>,
    %add3A_541 = arith.constant 256 : i32
    %add3A_542 = vector.broadcast %add3A_541 : i32 to vector<16xi32>
    %add3A_543 = arith.addi %get3A_540, %add3A_542 : vector<16xi32>
    tpu.vector_store_idx %arg9[%add3A_543], %broadcast_in_dim3A_128 {add = true} : memref<640xf32, #tpu.memory_space<vmem>>[vector<16xi32>], vector<16xf32>,
    %get3A_544 = arith.constant 1248 : index
    %get3A_545 = tpu.vector_load %arg8[%get3A_544] {strides = array<i32>} : memref<2560xi32, #tpu.memory_space<vmem>>, vector<16xi32>,
    %add3A_546 = arith.constant 256 : i32
    %add3A_547 = vector.broadcast %add3A_546 : i32 to vector<16xi32>
    %add3A_548 = arith.addi %get3A_545, %add3A_547 : vector<16xi32>
    tpu.vector_store_idx %arg9[%add3A_548], %broadcast_in_dim3A_128 {add = true} : memref<640xf32, #tpu.memory_space<vmem>>[vector<16xi32>], vector<16xf32>,
    %get3A_549 = arith.constant 1264 : index
    %get3A_550 = tpu.vector_load %arg8[%get3A_549] {strides = array<i32>} : memref<2560xi32, #tpu.memory_space<vmem>>, vector<16xi32>,
    %add3A_551 = arith.constant 256 : i32
    %add3A_552 = vector.broadcast %add3A_551 : i32 to vector<16xi32>
    %add3A_553 = arith.addi %get3A_550, %add3A_552 : vector<16xi32>
    tpu.vector_store_idx %arg9[%add3A_553], %broadcast_in_dim3A_128 {add = true} : memref<640xf32, #tpu.memory_space<vmem>>[vector<16xi32>], vector<16xf32>,
    %get3A_554 = arith.constant 1280 : index
    %get3A_555 = tpu.vector_load %arg8[%get3A_554] {strides = array<i32>} : memref<2560xi32, #tpu.memory_space<vmem>>, vector<16xi32>,
    %add3A_556 = arith.constant 256 : i32
    %add3A_557 = vector.broadcast %add3A_556 : i32 to vector<16xi32>
    %add3A_558 = arith.addi %get3A_555, %add3A_557 : vector<16xi32>
    tpu.vector_store_idx %arg9[%add3A_558], %broadcast_in_dim3A_128 {add = true} : memref<640xf32, #tpu.memory_space<vmem>>[vector<16xi32>], vector<16xf32>,
    %get3A_559 = arith.constant 1296 : index
    %get3A_560 = tpu.vector_load %arg8[%get3A_559] {strides = array<i32>} : memref<2560xi32, #tpu.memory_space<vmem>>, vector<16xi32>,
    %add3A_561 = arith.constant 256 : i32
    %add3A_562 = vector.broadcast %add3A_561 : i32 to vector<16xi32>
    %add3A_563 = arith.addi %get3A_560, %add3A_562 : vector<16xi32>
    tpu.vector_store_idx %arg9[%add3A_563], %broadcast_in_dim3A_128 {add = true} : memref<640xf32, #tpu.memory_space<vmem>>[vector<16xi32>], vector<16xf32>,
    %get3A_564 = arith.constant 1312 : index
    %get3A_565 = tpu.vector_load %arg8[%get3A_564] {strides = array<i32>} : memref<2560xi32, #tpu.memory_space<vmem>>, vector<16xi32>,
    %add3A_566 = arith.constant 256 : i32
    %add3A_567 = vector.broadcast %add3A_566 : i32 to vector<16xi32>
    %add3A_568 = arith.addi %get3A_565, %add3A_567 : vector<16xi32>
    tpu.vector_store_idx %arg9[%add3A_568], %broadcast_in_dim3A_128 {add = true} : memref<640xf32, #tpu.memory_space<vmem>>[vector<16xi32>], vector<16xf32>,
    %get3A_569 = arith.constant 1328 : index
    %get3A_570 = tpu.vector_load %arg8[%get3A_569] {strides = array<i32>} : memref<2560xi32, #tpu.memory_space<vmem>>, vector<16xi32>,
    %add3A_571 = arith.constant 256 : i32
    %add3A_572 = vector.broadcast %add3A_571 : i32 to vector<16xi32>
    %add3A_573 = arith.addi %get3A_570, %add3A_572 : vector<16xi32>
    tpu.vector_store_idx %arg9[%add3A_573], %broadcast_in_dim3A_128 {add = true} : memref<640xf32, #tpu.memory_space<vmem>>[vector<16xi32>], vector<16xf32>,
    %get3A_574 = arith.constant 1344 : index
    %get3A_575 = tpu.vector_load %arg8[%get3A_574] {strides = array<i32>} : memref<2560xi32, #tpu.memory_space<vmem>>, vector<16xi32>,
    %add3A_576 = arith.constant 256 : i32
    %add3A_577 = vector.broadcast %add3A_576 : i32 to vector<16xi32>
    %add3A_578 = arith.addi %get3A_575, %add3A_577 : vector<16xi32>
    tpu.vector_store_idx %arg9[%add3A_578], %broadcast_in_dim3A_128 {add = true} : memref<640xf32, #tpu.memory_space<vmem>>[vector<16xi32>], vector<16xf32>,
    %get3A_579 = arith.constant 1360 : index
    %get3A_580 = tpu.vector_load %arg8[%get3A_579] {strides = array<i32>} : memref<2560xi32, #tpu.memory_space<vmem>>, vector<16xi32>,
    %add3A_581 = arith.constant 256 : i32
    %add3A_582 = vector.broadcast %add3A_581 : i32 to vector<16xi32>
    %add3A_583 = arith.addi %get3A_580, %add3A_582 : vector<16xi32>
    tpu.vector_store_idx %arg9[%add3A_583], %broadcast_in_dim3A_128 {add = true} : memref<640xf32, #tpu.memory_space<vmem>>[vector<16xi32>], vector<16xf32>,
    %get3A_584 = arith.constant 1376 : index
    %get3A_585 = tpu.vector_load %arg8[%get3A_584] {strides = array<i32>} : memref<2560xi32, #tpu.memory_space<vmem>>, vector<16xi32>,
    %add3A_586 = arith.constant 256 : i32
    %add3A_587 = vector.broadcast %add3A_586 : i32 to vector<16xi32>
    %add3A_588 = arith.addi %get3A_585, %add3A_587 : vector<16xi32>
    tpu.vector_store_idx %arg9[%add3A_588], %broadcast_in_dim3A_128 {add = true} : memref<640xf32, #tpu.memory_space<vmem>>[vector<16xi32>], vector<16xf32>,
    %get3A_589 = arith.constant 1392 : index
    %get3A_590 = tpu.vector_load %arg8[%get3A_589] {strides = array<i32>} : memref<2560xi32, #tpu.memory_space<vmem>>, vector<16xi32>,
    %add3A_591 = arith.constant 256 : i32
    %add3A_592 = vector.broadcast %add3A_591 : i32 to vector<16xi32>
    %add3A_593 = arith.addi %get3A_590, %add3A_592 : vector<16xi32>
    tpu.vector_store_idx %arg9[%add3A_593], %broadcast_in_dim3A_128 {add = true} : memref<640xf32, #tpu.memory_space<vmem>>[vector<16xi32>], vector<16xf32>,
    %get3A_594 = arith.constant 1408 : index
    %get3A_595 = tpu.vector_load %arg8[%get3A_594] {strides = array<i32>} : memref<2560xi32, #tpu.memory_space<vmem>>, vector<16xi32>,
    %add3A_596 = arith.constant 256 : i32
    %add3A_597 = vector.broadcast %add3A_596 : i32 to vector<16xi32>
    %add3A_598 = arith.addi %get3A_595, %add3A_597 : vector<16xi32>
    tpu.vector_store_idx %arg9[%add3A_598], %broadcast_in_dim3A_128 {add = true} : memref<640xf32, #tpu.memory_space<vmem>>[vector<16xi32>], vector<16xf32>,
    %get3A_599 = arith.constant 1424 : index
    %get3A_600 = tpu.vector_load %arg8[%get3A_599] {strides = array<i32>} : memref<2560xi32, #tpu.memory_space<vmem>>, vector<16xi32>,
    %add3A_601 = arith.constant 256 : i32
    %add3A_602 = vector.broadcast %add3A_601 : i32 to vector<16xi32>
    %add3A_603 = arith.addi %get3A_600, %add3A_602 : vector<16xi32>
    tpu.vector_store_idx %arg9[%add3A_603], %broadcast_in_dim3A_128 {add = true} : memref<640xf32, #tpu.memory_space<vmem>>[vector<16xi32>], vector<16xf32>,
    %get3A_604 = arith.constant 1440 : index
    %get3A_605 = tpu.vector_load %arg8[%get3A_604] {strides = array<i32>} : memref<2560xi32, #tpu.memory_space<vmem>>, vector<16xi32>,
    %add3A_606 = arith.constant 256 : i32
    %add3A_607 = vector.broadcast %add3A_606 : i32 to vector<16xi32>
    %add3A_608 = arith.addi %get3A_605, %add3A_607 : vector<16xi32>
    tpu.vector_store_idx %arg9[%add3A_608], %broadcast_in_dim3A_128 {add = true} : memref<640xf32, #tpu.memory_space<vmem>>[vector<16xi32>], vector<16xf32>,
    %get3A_609 = arith.constant 1456 : index
    %get3A_610 = tpu.vector_load %arg8[%get3A_609] {strides = array<i32>} : memref<2560xi32, #tpu.memory_space<vmem>>, vector<16xi32>,
    %add3A_611 = arith.constant 256 : i32
    %add3A_612 = vector.broadcast %add3A_611 : i32 to vector<16xi32>
    %add3A_613 = arith.addi %get3A_610, %add3A_612 : vector<16xi32>
    tpu.vector_store_idx %arg9[%add3A_613], %broadcast_in_dim3A_128 {add = true} : memref<640xf32, #tpu.memory_space<vmem>>[vector<16xi32>], vector<16xf32>,
    %get3A_614 = arith.constant 1472 : index
    %get3A_615 = tpu.vector_load %arg8[%get3A_614] {strides = array<i32>} : memref<2560xi32, #tpu.memory_space<vmem>>, vector<16xi32>,
    %add3A_616 = arith.constant 256 : i32
    %add3A_617 = vector.broadcast %add3A_616 : i32 to vector<16xi32>
    %add3A_618 = arith.addi %get3A_615, %add3A_617 : vector<16xi32>
    tpu.vector_store_idx %arg9[%add3A_618], %broadcast_in_dim3A_128 {add = true} : memref<640xf32, #tpu.memory_space<vmem>>[vector<16xi32>], vector<16xf32>,
    %get3A_619 = arith.constant 1488 : index
    %get3A_620 = tpu.vector_load %arg8[%get3A_619] {strides = array<i32>} : memref<2560xi32, #tpu.memory_space<vmem>>, vector<16xi32>,
    %add3A_621 = arith.constant 256 : i32
    %add3A_622 = vector.broadcast %add3A_621 : i32 to vector<16xi32>
    %add3A_623 = arith.addi %get3A_620, %add3A_622 : vector<16xi32>
    tpu.vector_store_idx %arg9[%add3A_623], %broadcast_in_dim3A_128 {add = true} : memref<640xf32, #tpu.memory_space<vmem>>[vector<16xi32>], vector<16xf32>,
    %get3A_624 = arith.constant 1504 : index
    %get3A_625 = tpu.vector_load %arg8[%get3A_624] {strides = array<i32>} : memref<2560xi32, #tpu.memory_space<vmem>>, vector<16xi32>,
    %add3A_626 = arith.constant 256 : i32
    %add3A_627 = vector.broadcast %add3A_626 : i32 to vector<16xi32>
    %add3A_628 = arith.addi %get3A_625, %add3A_627 : vector<16xi32>
    tpu.vector_store_idx %arg9[%add3A_628], %broadcast_in_dim3A_128 {add = true} : memref<640xf32, #tpu.memory_space<vmem>>[vector<16xi32>], vector<16xf32>,
    %get3A_629 = arith.constant 1520 : index
    %get3A_630 = tpu.vector_load %arg8[%get3A_629] {strides = array<i32>} : memref<2560xi32, #tpu.memory_space<vmem>>, vector<16xi32>,
    %add3A_631 = arith.constant 256 : i32
    %add3A_632 = vector.broadcast %add3A_631 : i32 to vector<16xi32>
    %add3A_633 = arith.addi %get3A_630, %add3A_632 : vector<16xi32>
    tpu.vector_store_idx %arg9[%add3A_633], %broadcast_in_dim3A_128 {add = true} : memref<640xf32, #tpu.memory_space<vmem>>[vector<16xi32>], vector<16xf32>,
    %dma_wait3A_634 = arith.constant 3 : i32
    %dma_wait3A_635 = arith.constant 1536 : i32
    %dma_wait3A_636 = tpu.memref_slice %arg8[%dma_wait3A_635] : memref<2560xi32, #tpu.memory_space<vmem>> -> memref<512xi32, #tpu.memory_space<vmem>>
    %dma_wait3A_637 = tpu.memref_slice %arg5[%mul3A_2] : memref<16384xi32, #tpu.memory_space<hbm>> -> memref<512xi32, #tpu.memory_space<hbm>>
    %dma_wait3A_638 = tpu.memref_slice %arg10[%dma_wait3A_634] : memref<5x!tpu.dma_semaphore, #tpu.memory_space<semaphore_mem>> -> memref<1x!tpu.dma_semaphore, #tpu.memory_space<semaphore_mem>>
    %dma_wait3A_639 = tpu.memref_squeeze %dma_wait3A_638 : memref<1x!tpu.dma_semaphore, #tpu.memory_space<semaphore_mem>> -> memref<!tpu.dma_semaphore, #tpu.memory_space<semaphore_mem>>
    %dma_wait3A_640 = arith.constant 1536 : i32
    %dma_wait3A_641 = tpu.memref_slice %arg8[%dma_wait3A_640] : memref<2560xi32, #tpu.memory_space<vmem>> -> memref<512xi32, #tpu.memory_space<vmem>>
    %dma_wait3A_642 = tpu.memref_slice %arg5[%mul3A_2] : memref<16384xi32, #tpu.memory_space<hbm>> -> memref<512xi32, #tpu.memory_space<hbm>>
    tpu.wait_dma2 semaphore(%dma_wait3A_639 : memref<!tpu.dma_semaphore, #tpu.memory_space<semaphore_mem>>) src(%dma_wait3A_642 : memref<512xi32, #tpu.memory_space<hbm>>) dst(%dma_wait3A_641 : memref<512xi32, #tpu.memory_space<vmem>>)
    %get3A_643 = arith.constant 1536 : index
    %get3A_644 = tpu.vector_load %arg8[%get3A_643] {strides = array<i32>} : memref<2560xi32, #tpu.memory_space<vmem>>, vector<16xi32>,
    %add3A_645 = arith.constant 384 : i32
    %add3A_646 = vector.broadcast %add3A_645 : i32 to vector<16xi32>
    %add3A_647 = arith.addi %get3A_644, %add3A_646 : vector<16xi32>
    tpu.vector_store_idx %arg9[%add3A_647], %broadcast_in_dim3A_128 {add = true} : memref<640xf32, #tpu.memory_space<vmem>>[vector<16xi32>], vector<16xf32>,
    %get3A_648 = arith.constant 1552 : index
    %get3A_649 = tpu.vector_load %arg8[%get3A_648] {strides = array<i32>} : memref<2560xi32, #tpu.memory_space<vmem>>, vector<16xi32>,
    %add3A_650 = arith.constant 384 : i32
    %add3A_651 = vector.broadcast %add3A_650 : i32 to vector<16xi32>
    %add3A_652 = arith.addi %get3A_649, %add3A_651 : vector<16xi32>
    tpu.vector_store_idx %arg9[%add3A_652], %broadcast_in_dim3A_128 {add = true} : memref<640xf32, #tpu.memory_space<vmem>>[vector<16xi32>], vector<16xf32>,
    %get3A_653 = arith.constant 1568 : index
    %get3A_654 = tpu.vector_load %arg8[%get3A_653] {strides = array<i32>} : memref<2560xi32, #tpu.memory_space<vmem>>, vector<16xi32>,
    %add3A_655 = arith.constant 384 : i32
    %add3A_656 = vector.broadcast %add3A_655 : i32 to vector<16xi32>
    %add3A_657 = arith.addi %get3A_654, %add3A_656 : vector<16xi32>
    tpu.vector_store_idx %arg9[%add3A_657], %broadcast_in_dim3A_128 {add = true} : memref<640xf32, #tpu.memory_space<vmem>>[vector<16xi32>], vector<16xf32>,
    %get3A_658 = arith.constant 1584 : index
    %get3A_659 = tpu.vector_load %arg8[%get3A_658] {strides = array<i32>} : memref<2560xi32, #tpu.memory_space<vmem>>, vector<16xi32>,
    %add3A_660 = arith.constant 384 : i32
    %add3A_661 = vector.broadcast %add3A_660 : i32 to vector<16xi32>
    %add3A_662 = arith.addi %get3A_659, %add3A_661 : vector<16xi32>
    tpu.vector_store_idx %arg9[%add3A_662], %broadcast_in_dim3A_128 {add = true} : memref<640xf32, #tpu.memory_space<vmem>>[vector<16xi32>], vector<16xf32>,
    %get3A_663 = arith.constant 1600 : index
    %get3A_664 = tpu.vector_load %arg8[%get3A_663] {strides = array<i32>} : memref<2560xi32, #tpu.memory_space<vmem>>, vector<16xi32>,
    %add3A_665 = arith.constant 384 : i32
    %add3A_666 = vector.broadcast %add3A_665 : i32 to vector<16xi32>
    %add3A_667 = arith.addi %get3A_664, %add3A_666 : vector<16xi32>
    tpu.vector_store_idx %arg9[%add3A_667], %broadcast_in_dim3A_128 {add = true} : memref<640xf32, #tpu.memory_space<vmem>>[vector<16xi32>], vector<16xf32>,
    %get3A_668 = arith.constant 1616 : index
    %get3A_669 = tpu.vector_load %arg8[%get3A_668] {strides = array<i32>} : memref<2560xi32, #tpu.memory_space<vmem>>, vector<16xi32>,
    %add3A_670 = arith.constant 384 : i32
    %add3A_671 = vector.broadcast %add3A_670 : i32 to vector<16xi32>
    %add3A_672 = arith.addi %get3A_669, %add3A_671 : vector<16xi32>
    tpu.vector_store_idx %arg9[%add3A_672], %broadcast_in_dim3A_128 {add = true} : memref<640xf32, #tpu.memory_space<vmem>>[vector<16xi32>], vector<16xf32>,
    %get3A_673 = arith.constant 1632 : index
    %get3A_674 = tpu.vector_load %arg8[%get3A_673] {strides = array<i32>} : memref<2560xi32, #tpu.memory_space<vmem>>, vector<16xi32>,
    %add3A_675 = arith.constant 384 : i32
    %add3A_676 = vector.broadcast %add3A_675 : i32 to vector<16xi32>
    %add3A_677 = arith.addi %get3A_674, %add3A_676 : vector<16xi32>
    tpu.vector_store_idx %arg9[%add3A_677], %broadcast_in_dim3A_128 {add = true} : memref<640xf32, #tpu.memory_space<vmem>>[vector<16xi32>], vector<16xf32>,
    %get3A_678 = arith.constant 1648 : index
    %get3A_679 = tpu.vector_load %arg8[%get3A_678] {strides = array<i32>} : memref<2560xi32, #tpu.memory_space<vmem>>, vector<16xi32>,
    %add3A_680 = arith.constant 384 : i32
    %add3A_681 = vector.broadcast %add3A_680 : i32 to vector<16xi32>
    %add3A_682 = arith.addi %get3A_679, %add3A_681 : vector<16xi32>
    tpu.vector_store_idx %arg9[%add3A_682], %broadcast_in_dim3A_128 {add = true} : memref<640xf32, #tpu.memory_space<vmem>>[vector<16xi32>], vector<16xf32>,
    %get3A_683 = arith.constant 1664 : index
    %get3A_684 = tpu.vector_load %arg8[%get3A_683] {strides = array<i32>} : memref<2560xi32, #tpu.memory_space<vmem>>, vector<16xi32>,
    %add3A_685 = arith.constant 384 : i32
    %add3A_686 = vector.broadcast %add3A_685 : i32 to vector<16xi32>
    %add3A_687 = arith.addi %get3A_684, %add3A_686 : vector<16xi32>
    tpu.vector_store_idx %arg9[%add3A_687], %broadcast_in_dim3A_128 {add = true} : memref<640xf32, #tpu.memory_space<vmem>>[vector<16xi32>], vector<16xf32>,
    %get3A_688 = arith.constant 1680 : index
    %get3A_689 = tpu.vector_load %arg8[%get3A_688] {strides = array<i32>} : memref<2560xi32, #tpu.memory_space<vmem>>, vector<16xi32>,
    %add3A_690 = arith.constant 384 : i32
    %add3A_691 = vector.broadcast %add3A_690 : i32 to vector<16xi32>
    %add3A_692 = arith.addi %get3A_689, %add3A_691 : vector<16xi32>
    tpu.vector_store_idx %arg9[%add3A_692], %broadcast_in_dim3A_128 {add = true} : memref<640xf32, #tpu.memory_space<vmem>>[vector<16xi32>], vector<16xf32>,
    %get3A_693 = arith.constant 1696 : index
    %get3A_694 = tpu.vector_load %arg8[%get3A_693] {strides = array<i32>} : memref<2560xi32, #tpu.memory_space<vmem>>, vector<16xi32>,
    %add3A_695 = arith.constant 384 : i32
    %add3A_696 = vector.broadcast %add3A_695 : i32 to vector<16xi32>
    %add3A_697 = arith.addi %get3A_694, %add3A_696 : vector<16xi32>
    tpu.vector_store_idx %arg9[%add3A_697], %broadcast_in_dim3A_128 {add = true} : memref<640xf32, #tpu.memory_space<vmem>>[vector<16xi32>], vector<16xf32>,
    %get3A_698 = arith.constant 1712 : index
    %get3A_699 = tpu.vector_load %arg8[%get3A_698] {strides = array<i32>} : memref<2560xi32, #tpu.memory_space<vmem>>, vector<16xi32>,
    %add3A_700 = arith.constant 384 : i32
    %add3A_701 = vector.broadcast %add3A_700 : i32 to vector<16xi32>
    %add3A_702 = arith.addi %get3A_699, %add3A_701 : vector<16xi32>
    tpu.vector_store_idx %arg9[%add3A_702], %broadcast_in_dim3A_128 {add = true} : memref<640xf32, #tpu.memory_space<vmem>>[vector<16xi32>], vector<16xf32>,
    %get3A_703 = arith.constant 1728 : index
    %get3A_704 = tpu.vector_load %arg8[%get3A_703] {strides = array<i32>} : memref<2560xi32, #tpu.memory_space<vmem>>, vector<16xi32>,
    %add3A_705 = arith.constant 384 : i32
    %add3A_706 = vector.broadcast %add3A_705 : i32 to vector<16xi32>
    %add3A_707 = arith.addi %get3A_704, %add3A_706 : vector<16xi32>
    tpu.vector_store_idx %arg9[%add3A_707], %broadcast_in_dim3A_128 {add = true} : memref<640xf32, #tpu.memory_space<vmem>>[vector<16xi32>], vector<16xf32>,
    %get3A_708 = arith.constant 1744 : index
    %get3A_709 = tpu.vector_load %arg8[%get3A_708] {strides = array<i32>} : memref<2560xi32, #tpu.memory_space<vmem>>, vector<16xi32>,
    %add3A_710 = arith.constant 384 : i32
    %add3A_711 = vector.broadcast %add3A_710 : i32 to vector<16xi32>
    %add3A_712 = arith.addi %get3A_709, %add3A_711 : vector<16xi32>
    tpu.vector_store_idx %arg9[%add3A_712], %broadcast_in_dim3A_128 {add = true} : memref<640xf32, #tpu.memory_space<vmem>>[vector<16xi32>], vector<16xf32>,
    %get3A_713 = arith.constant 1760 : index
    %get3A_714 = tpu.vector_load %arg8[%get3A_713] {strides = array<i32>} : memref<2560xi32, #tpu.memory_space<vmem>>, vector<16xi32>,
    %add3A_715 = arith.constant 384 : i32
    %add3A_716 = vector.broadcast %add3A_715 : i32 to vector<16xi32>
    %add3A_717 = arith.addi %get3A_714, %add3A_716 : vector<16xi32>
    tpu.vector_store_idx %arg9[%add3A_717], %broadcast_in_dim3A_128 {add = true} : memref<640xf32, #tpu.memory_space<vmem>>[vector<16xi32>], vector<16xf32>,
    %get3A_718 = arith.constant 1776 : index
    %get3A_719 = tpu.vector_load %arg8[%get3A_718] {strides = array<i32>} : memref<2560xi32, #tpu.memory_space<vmem>>, vector<16xi32>,
    %add3A_720 = arith.constant 384 : i32
    %add3A_721 = vector.broadcast %add3A_720 : i32 to vector<16xi32>
    %add3A_722 = arith.addi %get3A_719, %add3A_721 : vector<16xi32>
    tpu.vector_store_idx %arg9[%add3A_722], %broadcast_in_dim3A_128 {add = true} : memref<640xf32, #tpu.memory_space<vmem>>[vector<16xi32>], vector<16xf32>,
    %get3A_723 = arith.constant 1792 : index
    %get3A_724 = tpu.vector_load %arg8[%get3A_723] {strides = array<i32>} : memref<2560xi32, #tpu.memory_space<vmem>>, vector<16xi32>,
    %add3A_725 = arith.constant 384 : i32
    %add3A_726 = vector.broadcast %add3A_725 : i32 to vector<16xi32>
    %add3A_727 = arith.addi %get3A_724, %add3A_726 : vector<16xi32>
    tpu.vector_store_idx %arg9[%add3A_727], %broadcast_in_dim3A_128 {add = true} : memref<640xf32, #tpu.memory_space<vmem>>[vector<16xi32>], vector<16xf32>,
    %get3A_728 = arith.constant 1808 : index
    %get3A_729 = tpu.vector_load %arg8[%get3A_728] {strides = array<i32>} : memref<2560xi32, #tpu.memory_space<vmem>>, vector<16xi32>,
    %add3A_730 = arith.constant 384 : i32
    %add3A_731 = vector.broadcast %add3A_730 : i32 to vector<16xi32>
    %add3A_732 = arith.addi %get3A_729, %add3A_731 : vector<16xi32>
    tpu.vector_store_idx %arg9[%add3A_732], %broadcast_in_dim3A_128 {add = true} : memref<640xf32, #tpu.memory_space<vmem>>[vector<16xi32>], vector<16xf32>,
    %get3A_733 = arith.constant 1824 : index
    %get3A_734 = tpu.vector_load %arg8[%get3A_733] {strides = array<i32>} : memref<2560xi32, #tpu.memory_space<vmem>>, vector<16xi32>,
    %add3A_735 = arith.constant 384 : i32
    %add3A_736 = vector.broadcast %add3A_735 : i32 to vector<16xi32>
    %add3A_737 = arith.addi %get3A_734, %add3A_736 : vector<16xi32>
    tpu.vector_store_idx %arg9[%add3A_737], %broadcast_in_dim3A_128 {add = true} : memref<640xf32, #tpu.memory_space<vmem>>[vector<16xi32>], vector<16xf32>,
    %get3A_738 = arith.constant 1840 : index
    %get3A_739 = tpu.vector_load %arg8[%get3A_738] {strides = array<i32>} : memref<2560xi32, #tpu.memory_space<vmem>>, vector<16xi32>,
    %add3A_740 = arith.constant 384 : i32
    %add3A_741 = vector.broadcast %add3A_740 : i32 to vector<16xi32>
    %add3A_742 = arith.addi %get3A_739, %add3A_741 : vector<16xi32>
    tpu.vector_store_idx %arg9[%add3A_742], %broadcast_in_dim3A_128 {add = true} : memref<640xf32, #tpu.memory_space<vmem>>[vector<16xi32>], vector<16xf32>,
    %get3A_743 = arith.constant 1856 : index
    %get3A_744 = tpu.vector_load %arg8[%get3A_743] {strides = array<i32>} : memref<2560xi32, #tpu.memory_space<vmem>>, vector<16xi32>,
    %add3A_745 = arith.constant 384 : i32
    %add3A_746 = vector.broadcast %add3A_745 : i32 to vector<16xi32>
    %add3A_747 = arith.addi %get3A_744, %add3A_746 : vector<16xi32>
    tpu.vector_store_idx %arg9[%add3A_747], %broadcast_in_dim3A_128 {add = true} : memref<640xf32, #tpu.memory_space<vmem>>[vector<16xi32>], vector<16xf32>,
    %get3A_748 = arith.constant 1872 : index
    %get3A_749 = tpu.vector_load %arg8[%get3A_748] {strides = array<i32>} : memref<2560xi32, #tpu.memory_space<vmem>>, vector<16xi32>,
    %add3A_750 = arith.constant 384 : i32
    %add3A_751 = vector.broadcast %add3A_750 : i32 to vector<16xi32>
    %add3A_752 = arith.addi %get3A_749, %add3A_751 : vector<16xi32>
    tpu.vector_store_idx %arg9[%add3A_752], %broadcast_in_dim3A_128 {add = true} : memref<640xf32, #tpu.memory_space<vmem>>[vector<16xi32>], vector<16xf32>,
    %get3A_753 = arith.constant 1888 : index
    %get3A_754 = tpu.vector_load %arg8[%get3A_753] {strides = array<i32>} : memref<2560xi32, #tpu.memory_space<vmem>>, vector<16xi32>,
    %add3A_755 = arith.constant 384 : i32
    %add3A_756 = vector.broadcast %add3A_755 : i32 to vector<16xi32>
    %add3A_757 = arith.addi %get3A_754, %add3A_756 : vector<16xi32>
    tpu.vector_store_idx %arg9[%add3A_757], %broadcast_in_dim3A_128 {add = true} : memref<640xf32, #tpu.memory_space<vmem>>[vector<16xi32>], vector<16xf32>,
    %get3A_758 = arith.constant 1904 : index
    %get3A_759 = tpu.vector_load %arg8[%get3A_758] {strides = array<i32>} : memref<2560xi32, #tpu.memory_space<vmem>>, vector<16xi32>,
    %add3A_760 = arith.constant 384 : i32
    %add3A_761 = vector.broadcast %add3A_760 : i32 to vector<16xi32>
    %add3A_762 = arith.addi %get3A_759, %add3A_761 : vector<16xi32>
    tpu.vector_store_idx %arg9[%add3A_762], %broadcast_in_dim3A_128 {add = true} : memref<640xf32, #tpu.memory_space<vmem>>[vector<16xi32>], vector<16xf32>,
    %get3A_763 = arith.constant 1920 : index
    %get3A_764 = tpu.vector_load %arg8[%get3A_763] {strides = array<i32>} : memref<2560xi32, #tpu.memory_space<vmem>>, vector<16xi32>,
    %add3A_765 = arith.constant 384 : i32
    %add3A_766 = vector.broadcast %add3A_765 : i32 to vector<16xi32>
    %add3A_767 = arith.addi %get3A_764, %add3A_766 : vector<16xi32>
    tpu.vector_store_idx %arg9[%add3A_767], %broadcast_in_dim3A_128 {add = true} : memref<640xf32, #tpu.memory_space<vmem>>[vector<16xi32>], vector<16xf32>,
    %get3A_768 = arith.constant 1936 : index
    %get3A_769 = tpu.vector_load %arg8[%get3A_768] {strides = array<i32>} : memref<2560xi32, #tpu.memory_space<vmem>>, vector<16xi32>,
    %add3A_770 = arith.constant 384 : i32
    %add3A_771 = vector.broadcast %add3A_770 : i32 to vector<16xi32>
    %add3A_772 = arith.addi %get3A_769, %add3A_771 : vector<16xi32>
    tpu.vector_store_idx %arg9[%add3A_772], %broadcast_in_dim3A_128 {add = true} : memref<640xf32, #tpu.memory_space<vmem>>[vector<16xi32>], vector<16xf32>,
    %get3A_773 = arith.constant 1952 : index
    %get3A_774 = tpu.vector_load %arg8[%get3A_773] {strides = array<i32>} : memref<2560xi32, #tpu.memory_space<vmem>>, vector<16xi32>,
    %add3A_775 = arith.constant 384 : i32
    %add3A_776 = vector.broadcast %add3A_775 : i32 to vector<16xi32>
    %add3A_777 = arith.addi %get3A_774, %add3A_776 : vector<16xi32>
    tpu.vector_store_idx %arg9[%add3A_777], %broadcast_in_dim3A_128 {add = true} : memref<640xf32, #tpu.memory_space<vmem>>[vector<16xi32>], vector<16xf32>,
    %get3A_778 = arith.constant 1968 : index
    %get3A_779 = tpu.vector_load %arg8[%get3A_778] {strides = array<i32>} : memref<2560xi32, #tpu.memory_space<vmem>>, vector<16xi32>,
    %add3A_780 = arith.constant 384 : i32
    %add3A_781 = vector.broadcast %add3A_780 : i32 to vector<16xi32>
    %add3A_782 = arith.addi %get3A_779, %add3A_781 : vector<16xi32>
    tpu.vector_store_idx %arg9[%add3A_782], %broadcast_in_dim3A_128 {add = true} : memref<640xf32, #tpu.memory_space<vmem>>[vector<16xi32>], vector<16xf32>,
    %get3A_783 = arith.constant 1984 : index
    %get3A_784 = tpu.vector_load %arg8[%get3A_783] {strides = array<i32>} : memref<2560xi32, #tpu.memory_space<vmem>>, vector<16xi32>,
    %add3A_785 = arith.constant 384 : i32
    %add3A_786 = vector.broadcast %add3A_785 : i32 to vector<16xi32>
    %add3A_787 = arith.addi %get3A_784, %add3A_786 : vector<16xi32>
    tpu.vector_store_idx %arg9[%add3A_787], %broadcast_in_dim3A_128 {add = true} : memref<640xf32, #tpu.memory_space<vmem>>[vector<16xi32>], vector<16xf32>,
    %get3A_788 = arith.constant 2000 : index
    %get3A_789 = tpu.vector_load %arg8[%get3A_788] {strides = array<i32>} : memref<2560xi32, #tpu.memory_space<vmem>>, vector<16xi32>,
    %add3A_790 = arith.constant 384 : i32
    %add3A_791 = vector.broadcast %add3A_790 : i32 to vector<16xi32>
    %add3A_792 = arith.addi %get3A_789, %add3A_791 : vector<16xi32>
    tpu.vector_store_idx %arg9[%add3A_792], %broadcast_in_dim3A_128 {add = true} : memref<640xf32, #tpu.memory_space<vmem>>[vector<16xi32>], vector<16xf32>,
    %get3A_793 = arith.constant 2016 : index
    %get3A_794 = tpu.vector_load %arg8[%get3A_793] {strides = array<i32>} : memref<2560xi32, #tpu.memory_space<vmem>>, vector<16xi32>,
    %add3A_795 = arith.constant 384 : i32
    %add3A_796 = vector.broadcast %add3A_795 : i32 to vector<16xi32>
    %add3A_797 = arith.addi %get3A_794, %add3A_796 : vector<16xi32>
    tpu.vector_store_idx %arg9[%add3A_797], %broadcast_in_dim3A_128 {add = true} : memref<640xf32, #tpu.memory_space<vmem>>[vector<16xi32>], vector<16xf32>,
    %get3A_798 = arith.constant 2032 : index
    %get3A_799 = tpu.vector_load %arg8[%get3A_798] {strides = array<i32>} : memref<2560xi32, #tpu.memory_space<vmem>>, vector<16xi32>,
    %add3A_800 = arith.constant 384 : i32
    %add3A_801 = vector.broadcast %add3A_800 : i32 to vector<16xi32>
    %add3A_802 = arith.addi %get3A_799, %add3A_801 : vector<16xi32>
    tpu.vector_store_idx %arg9[%add3A_802], %broadcast_in_dim3A_128 {add = true} : memref<640xf32, #tpu.memory_space<vmem>>[vector<16xi32>], vector<16xf32>,
    %dma_wait3A_803 = arith.constant 4 : i32
    %dma_wait3A_804 = arith.constant 2048 : i32
    %dma_wait3A_805 = tpu.memref_slice %arg8[%dma_wait3A_804] : memref<2560xi32, #tpu.memory_space<vmem>> -> memref<512xi32, #tpu.memory_space<vmem>>
    %dma_wait3A_806 = tpu.memref_slice %arg6[%mul3A_2] : memref<16384xi32, #tpu.memory_space<hbm>> -> memref<512xi32, #tpu.memory_space<hbm>>
    %dma_wait3A_807 = tpu.memref_slice %arg10[%dma_wait3A_803] : memref<5x!tpu.dma_semaphore, #tpu.memory_space<semaphore_mem>> -> memref<1x!tpu.dma_semaphore, #tpu.memory_space<semaphore_mem>>
    %dma_wait3A_808 = tpu.memref_squeeze %dma_wait3A_807 : memref<1x!tpu.dma_semaphore, #tpu.memory_space<semaphore_mem>> -> memref<!tpu.dma_semaphore, #tpu.memory_space<semaphore_mem>>
    %dma_wait3A_809 = arith.constant 2048 : i32
    %dma_wait3A_810 = tpu.memref_slice %arg8[%dma_wait3A_809] : memref<2560xi32, #tpu.memory_space<vmem>> -> memref<512xi32, #tpu.memory_space<vmem>>
    %dma_wait3A_811 = tpu.memref_slice %arg6[%mul3A_2] : memref<16384xi32, #tpu.memory_space<hbm>> -> memref<512xi32, #tpu.memory_space<hbm>>
    tpu.wait_dma2 semaphore(%dma_wait3A_808 : memref<!tpu.dma_semaphore, #tpu.memory_space<semaphore_mem>>) src(%dma_wait3A_811 : memref<512xi32, #tpu.memory_space<hbm>>) dst(%dma_wait3A_810 : memref<512xi32, #tpu.memory_space<vmem>>)
    %get3A_812 = arith.constant 2048 : index
    %get3A_813 = tpu.vector_load %arg8[%get3A_812] {strides = array<i32>} : memref<2560xi32, #tpu.memory_space<vmem>>, vector<16xi32>,
    %add3A_814 = arith.constant 512 : i32
    %add3A_815 = vector.broadcast %add3A_814 : i32 to vector<16xi32>
    %add3A_816 = arith.addi %get3A_813, %add3A_815 : vector<16xi32>
    tpu.vector_store_idx %arg9[%add3A_816], %broadcast_in_dim3A_128 {add = true} : memref<640xf32, #tpu.memory_space<vmem>>[vector<16xi32>], vector<16xf32>,
    %get3A_817 = arith.constant 2064 : index
    %get3A_818 = tpu.vector_load %arg8[%get3A_817] {strides = array<i32>} : memref<2560xi32, #tpu.memory_space<vmem>>, vector<16xi32>,
    %add3A_819 = arith.constant 512 : i32
    %add3A_820 = vector.broadcast %add3A_819 : i32 to vector<16xi32>
    %add3A_821 = arith.addi %get3A_818, %add3A_820 : vector<16xi32>
    tpu.vector_store_idx %arg9[%add3A_821], %broadcast_in_dim3A_128 {add = true} : memref<640xf32, #tpu.memory_space<vmem>>[vector<16xi32>], vector<16xf32>,
    %get3A_822 = arith.constant 2080 : index
    %get3A_823 = tpu.vector_load %arg8[%get3A_822] {strides = array<i32>} : memref<2560xi32, #tpu.memory_space<vmem>>, vector<16xi32>,
    %add3A_824 = arith.constant 512 : i32
    %add3A_825 = vector.broadcast %add3A_824 : i32 to vector<16xi32>
    %add3A_826 = arith.addi %get3A_823, %add3A_825 : vector<16xi32>
    tpu.vector_store_idx %arg9[%add3A_826], %broadcast_in_dim3A_128 {add = true} : memref<640xf32, #tpu.memory_space<vmem>>[vector<16xi32>], vector<16xf32>,
    %get3A_827 = arith.constant 2096 : index
    %get3A_828 = tpu.vector_load %arg8[%get3A_827] {strides = array<i32>} : memref<2560xi32, #tpu.memory_space<vmem>>, vector<16xi32>,
    %add3A_829 = arith.constant 512 : i32
    %add3A_830 = vector.broadcast %add3A_829 : i32 to vector<16xi32>
    %add3A_831 = arith.addi %get3A_828, %add3A_830 : vector<16xi32>
    tpu.vector_store_idx %arg9[%add3A_831], %broadcast_in_dim3A_128 {add = true} : memref<640xf32, #tpu.memory_space<vmem>>[vector<16xi32>], vector<16xf32>,
    %get3A_832 = arith.constant 2112 : index
    %get3A_833 = tpu.vector_load %arg8[%get3A_832] {strides = array<i32>} : memref<2560xi32, #tpu.memory_space<vmem>>, vector<16xi32>,
    %add3A_834 = arith.constant 512 : i32
    %add3A_835 = vector.broadcast %add3A_834 : i32 to vector<16xi32>
    %add3A_836 = arith.addi %get3A_833, %add3A_835 : vector<16xi32>
    tpu.vector_store_idx %arg9[%add3A_836], %broadcast_in_dim3A_128 {add = true} : memref<640xf32, #tpu.memory_space<vmem>>[vector<16xi32>], vector<16xf32>,
    %get3A_837 = arith.constant 2128 : index
    %get3A_838 = tpu.vector_load %arg8[%get3A_837] {strides = array<i32>} : memref<2560xi32, #tpu.memory_space<vmem>>, vector<16xi32>,
    %add3A_839 = arith.constant 512 : i32
    %add3A_840 = vector.broadcast %add3A_839 : i32 to vector<16xi32>
    %add3A_841 = arith.addi %get3A_838, %add3A_840 : vector<16xi32>
    tpu.vector_store_idx %arg9[%add3A_841], %broadcast_in_dim3A_128 {add = true} : memref<640xf32, #tpu.memory_space<vmem>>[vector<16xi32>], vector<16xf32>,
    %get3A_842 = arith.constant 2144 : index
    %get3A_843 = tpu.vector_load %arg8[%get3A_842] {strides = array<i32>} : memref<2560xi32, #tpu.memory_space<vmem>>, vector<16xi32>,
    %add3A_844 = arith.constant 512 : i32
    %add3A_845 = vector.broadcast %add3A_844 : i32 to vector<16xi32>
    %add3A_846 = arith.addi %get3A_843, %add3A_845 : vector<16xi32>
    tpu.vector_store_idx %arg9[%add3A_846], %broadcast_in_dim3A_128 {add = true} : memref<640xf32, #tpu.memory_space<vmem>>[vector<16xi32>], vector<16xf32>,
    %get3A_847 = arith.constant 2160 : index
    %get3A_848 = tpu.vector_load %arg8[%get3A_847] {strides = array<i32>} : memref<2560xi32, #tpu.memory_space<vmem>>, vector<16xi32>,
    %add3A_849 = arith.constant 512 : i32
    %add3A_850 = vector.broadcast %add3A_849 : i32 to vector<16xi32>
    %add3A_851 = arith.addi %get3A_848, %add3A_850 : vector<16xi32>
    tpu.vector_store_idx %arg9[%add3A_851], %broadcast_in_dim3A_128 {add = true} : memref<640xf32, #tpu.memory_space<vmem>>[vector<16xi32>], vector<16xf32>,
    %get3A_852 = arith.constant 2176 : index
    %get3A_853 = tpu.vector_load %arg8[%get3A_852] {strides = array<i32>} : memref<2560xi32, #tpu.memory_space<vmem>>, vector<16xi32>,
    %add3A_854 = arith.constant 512 : i32
    %add3A_855 = vector.broadcast %add3A_854 : i32 to vector<16xi32>
    %add3A_856 = arith.addi %get3A_853, %add3A_855 : vector<16xi32>
    tpu.vector_store_idx %arg9[%add3A_856], %broadcast_in_dim3A_128 {add = true} : memref<640xf32, #tpu.memory_space<vmem>>[vector<16xi32>], vector<16xf32>,
    %get3A_857 = arith.constant 2192 : index
    %get3A_858 = tpu.vector_load %arg8[%get3A_857] {strides = array<i32>} : memref<2560xi32, #tpu.memory_space<vmem>>, vector<16xi32>,
    %add3A_859 = arith.constant 512 : i32
    %add3A_860 = vector.broadcast %add3A_859 : i32 to vector<16xi32>
    %add3A_861 = arith.addi %get3A_858, %add3A_860 : vector<16xi32>
    tpu.vector_store_idx %arg9[%add3A_861], %broadcast_in_dim3A_128 {add = true} : memref<640xf32, #tpu.memory_space<vmem>>[vector<16xi32>], vector<16xf32>,
    %get3A_862 = arith.constant 2208 : index
    %get3A_863 = tpu.vector_load %arg8[%get3A_862] {strides = array<i32>} : memref<2560xi32, #tpu.memory_space<vmem>>, vector<16xi32>,
    %add3A_864 = arith.constant 512 : i32
    %add3A_865 = vector.broadcast %add3A_864 : i32 to vector<16xi32>
    %add3A_866 = arith.addi %get3A_863, %add3A_865 : vector<16xi32>
    tpu.vector_store_idx %arg9[%add3A_866], %broadcast_in_dim3A_128 {add = true} : memref<640xf32, #tpu.memory_space<vmem>>[vector<16xi32>], vector<16xf32>,
    %get3A_867 = arith.constant 2224 : index
    %get3A_868 = tpu.vector_load %arg8[%get3A_867] {strides = array<i32>} : memref<2560xi32, #tpu.memory_space<vmem>>, vector<16xi32>,
    %add3A_869 = arith.constant 512 : i32
    %add3A_870 = vector.broadcast %add3A_869 : i32 to vector<16xi32>
    %add3A_871 = arith.addi %get3A_868, %add3A_870 : vector<16xi32>
    tpu.vector_store_idx %arg9[%add3A_871], %broadcast_in_dim3A_128 {add = true} : memref<640xf32, #tpu.memory_space<vmem>>[vector<16xi32>], vector<16xf32>,
    %get3A_872 = arith.constant 2240 : index
    %get3A_873 = tpu.vector_load %arg8[%get3A_872] {strides = array<i32>} : memref<2560xi32, #tpu.memory_space<vmem>>, vector<16xi32>,
    %add3A_874 = arith.constant 512 : i32
    %add3A_875 = vector.broadcast %add3A_874 : i32 to vector<16xi32>
    %add3A_876 = arith.addi %get3A_873, %add3A_875 : vector<16xi32>
    tpu.vector_store_idx %arg9[%add3A_876], %broadcast_in_dim3A_128 {add = true} : memref<640xf32, #tpu.memory_space<vmem>>[vector<16xi32>], vector<16xf32>,
    %get3A_877 = arith.constant 2256 : index
    %get3A_878 = tpu.vector_load %arg8[%get3A_877] {strides = array<i32>} : memref<2560xi32, #tpu.memory_space<vmem>>, vector<16xi32>,
    %add3A_879 = arith.constant 512 : i32
    %add3A_880 = vector.broadcast %add3A_879 : i32 to vector<16xi32>
    %add3A_881 = arith.addi %get3A_878, %add3A_880 : vector<16xi32>
    tpu.vector_store_idx %arg9[%add3A_881], %broadcast_in_dim3A_128 {add = true} : memref<640xf32, #tpu.memory_space<vmem>>[vector<16xi32>], vector<16xf32>,
    %get3A_882 = arith.constant 2272 : index
    %get3A_883 = tpu.vector_load %arg8[%get3A_882] {strides = array<i32>} : memref<2560xi32, #tpu.memory_space<vmem>>, vector<16xi32>,
    %add3A_884 = arith.constant 512 : i32
    %add3A_885 = vector.broadcast %add3A_884 : i32 to vector<16xi32>
    %add3A_886 = arith.addi %get3A_883, %add3A_885 : vector<16xi32>
    tpu.vector_store_idx %arg9[%add3A_886], %broadcast_in_dim3A_128 {add = true} : memref<640xf32, #tpu.memory_space<vmem>>[vector<16xi32>], vector<16xf32>,
    %get3A_887 = arith.constant 2288 : index
    %get3A_888 = tpu.vector_load %arg8[%get3A_887] {strides = array<i32>} : memref<2560xi32, #tpu.memory_space<vmem>>, vector<16xi32>,
    %add3A_889 = arith.constant 512 : i32
    %add3A_890 = vector.broadcast %add3A_889 : i32 to vector<16xi32>
    %add3A_891 = arith.addi %get3A_888, %add3A_890 : vector<16xi32>
    tpu.vector_store_idx %arg9[%add3A_891], %broadcast_in_dim3A_128 {add = true} : memref<640xf32, #tpu.memory_space<vmem>>[vector<16xi32>], vector<16xf32>,
    %get3A_892 = arith.constant 2304 : index
    %get3A_893 = tpu.vector_load %arg8[%get3A_892] {strides = array<i32>} : memref<2560xi32, #tpu.memory_space<vmem>>, vector<16xi32>,
    %add3A_894 = arith.constant 512 : i32
    %add3A_895 = vector.broadcast %add3A_894 : i32 to vector<16xi32>
    %add3A_896 = arith.addi %get3A_893, %add3A_895 : vector<16xi32>
    tpu.vector_store_idx %arg9[%add3A_896], %broadcast_in_dim3A_128 {add = true} : memref<640xf32, #tpu.memory_space<vmem>>[vector<16xi32>], vector<16xf32>,
    %get3A_897 = arith.constant 2320 : index
    %get3A_898 = tpu.vector_load %arg8[%get3A_897] {strides = array<i32>} : memref<2560xi32, #tpu.memory_space<vmem>>, vector<16xi32>,
    %add3A_899 = arith.constant 512 : i32
    %add3A_900 = vector.broadcast %add3A_899 : i32 to vector<16xi32>
    %add3A_901 = arith.addi %get3A_898, %add3A_900 : vector<16xi32>
    tpu.vector_store_idx %arg9[%add3A_901], %broadcast_in_dim3A_128 {add = true} : memref<640xf32, #tpu.memory_space<vmem>>[vector<16xi32>], vector<16xf32>,
    %get3A_902 = arith.constant 2336 : index
    %get3A_903 = tpu.vector_load %arg8[%get3A_902] {strides = array<i32>} : memref<2560xi32, #tpu.memory_space<vmem>>, vector<16xi32>,
    %add3A_904 = arith.constant 512 : i32
    %add3A_905 = vector.broadcast %add3A_904 : i32 to vector<16xi32>
    %add3A_906 = arith.addi %get3A_903, %add3A_905 : vector<16xi32>
    tpu.vector_store_idx %arg9[%add3A_906], %broadcast_in_dim3A_128 {add = true} : memref<640xf32, #tpu.memory_space<vmem>>[vector<16xi32>], vector<16xf32>,
    %get3A_907 = arith.constant 2352 : index
    %get3A_908 = tpu.vector_load %arg8[%get3A_907] {strides = array<i32>} : memref<2560xi32, #tpu.memory_space<vmem>>, vector<16xi32>,
    %add3A_909 = arith.constant 512 : i32
    %add3A_910 = vector.broadcast %add3A_909 : i32 to vector<16xi32>
    %add3A_911 = arith.addi %get3A_908, %add3A_910 : vector<16xi32>
    tpu.vector_store_idx %arg9[%add3A_911], %broadcast_in_dim3A_128 {add = true} : memref<640xf32, #tpu.memory_space<vmem>>[vector<16xi32>], vector<16xf32>,
    %get3A_912 = arith.constant 2368 : index
    %get3A_913 = tpu.vector_load %arg8[%get3A_912] {strides = array<i32>} : memref<2560xi32, #tpu.memory_space<vmem>>, vector<16xi32>,
    %add3A_914 = arith.constant 512 : i32
    %add3A_915 = vector.broadcast %add3A_914 : i32 to vector<16xi32>
    %add3A_916 = arith.addi %get3A_913, %add3A_915 : vector<16xi32>
    tpu.vector_store_idx %arg9[%add3A_916], %broadcast_in_dim3A_128 {add = true} : memref<640xf32, #tpu.memory_space<vmem>>[vector<16xi32>], vector<16xf32>,
    %get3A_917 = arith.constant 2384 : index
    %get3A_918 = tpu.vector_load %arg8[%get3A_917] {strides = array<i32>} : memref<2560xi32, #tpu.memory_space<vmem>>, vector<16xi32>,
    %add3A_919 = arith.constant 512 : i32
    %add3A_920 = vector.broadcast %add3A_919 : i32 to vector<16xi32>
    %add3A_921 = arith.addi %get3A_918, %add3A_920 : vector<16xi32>
    tpu.vector_store_idx %arg9[%add3A_921], %broadcast_in_dim3A_128 {add = true} : memref<640xf32, #tpu.memory_space<vmem>>[vector<16xi32>], vector<16xf32>,
    %get3A_922 = arith.constant 2400 : index
    %get3A_923 = tpu.vector_load %arg8[%get3A_922] {strides = array<i32>} : memref<2560xi32, #tpu.memory_space<vmem>>, vector<16xi32>,
    %add3A_924 = arith.constant 512 : i32
    %add3A_925 = vector.broadcast %add3A_924 : i32 to vector<16xi32>
    %add3A_926 = arith.addi %get3A_923, %add3A_925 : vector<16xi32>
    tpu.vector_store_idx %arg9[%add3A_926], %broadcast_in_dim3A_128 {add = true} : memref<640xf32, #tpu.memory_space<vmem>>[vector<16xi32>], vector<16xf32>,
    %get3A_927 = arith.constant 2416 : index
    %get3A_928 = tpu.vector_load %arg8[%get3A_927] {strides = array<i32>} : memref<2560xi32, #tpu.memory_space<vmem>>, vector<16xi32>,
    %add3A_929 = arith.constant 512 : i32
    %add3A_930 = vector.broadcast %add3A_929 : i32 to vector<16xi32>
    %add3A_931 = arith.addi %get3A_928, %add3A_930 : vector<16xi32>
    tpu.vector_store_idx %arg9[%add3A_931], %broadcast_in_dim3A_128 {add = true} : memref<640xf32, #tpu.memory_space<vmem>>[vector<16xi32>], vector<16xf32>,
    %get3A_932 = arith.constant 2432 : index
    %get3A_933 = tpu.vector_load %arg8[%get3A_932] {strides = array<i32>} : memref<2560xi32, #tpu.memory_space<vmem>>, vector<16xi32>,
    %add3A_934 = arith.constant 512 : i32
    %add3A_935 = vector.broadcast %add3A_934 : i32 to vector<16xi32>
    %add3A_936 = arith.addi %get3A_933, %add3A_935 : vector<16xi32>
    tpu.vector_store_idx %arg9[%add3A_936], %broadcast_in_dim3A_128 {add = true} : memref<640xf32, #tpu.memory_space<vmem>>[vector<16xi32>], vector<16xf32>,
    %get3A_937 = arith.constant 2448 : index
    %get3A_938 = tpu.vector_load %arg8[%get3A_937] {strides = array<i32>} : memref<2560xi32, #tpu.memory_space<vmem>>, vector<16xi32>,
    %add3A_939 = arith.constant 512 : i32
    %add3A_940 = vector.broadcast %add3A_939 : i32 to vector<16xi32>
    %add3A_941 = arith.addi %get3A_938, %add3A_940 : vector<16xi32>
    tpu.vector_store_idx %arg9[%add3A_941], %broadcast_in_dim3A_128 {add = true} : memref<640xf32, #tpu.memory_space<vmem>>[vector<16xi32>], vector<16xf32>,
    %get3A_942 = arith.constant 2464 : index
    %get3A_943 = tpu.vector_load %arg8[%get3A_942] {strides = array<i32>} : memref<2560xi32, #tpu.memory_space<vmem>>, vector<16xi32>,
    %add3A_944 = arith.constant 512 : i32
    %add3A_945 = vector.broadcast %add3A_944 : i32 to vector<16xi32>
    %add3A_946 = arith.addi %get3A_943, %add3A_945 : vector<16xi32>
    tpu.vector_store_idx %arg9[%add3A_946], %broadcast_in_dim3A_128 {add = true} : memref<640xf32, #tpu.memory_space<vmem>>[vector<16xi32>], vector<16xf32>,
    %get3A_947 = arith.constant 2480 : index
    %get3A_948 = tpu.vector_load %arg8[%get3A_947] {strides = array<i32>} : memref<2560xi32, #tpu.memory_space<vmem>>, vector<16xi32>,
    %add3A_949 = arith.constant 512 : i32
    %add3A_950 = vector.broadcast %add3A_949 : i32 to vector<16xi32>
    %add3A_951 = arith.addi %get3A_948, %add3A_950 : vector<16xi32>
    tpu.vector_store_idx %arg9[%add3A_951], %broadcast_in_dim3A_128 {add = true} : memref<640xf32, #tpu.memory_space<vmem>>[vector<16xi32>], vector<16xf32>,
    %get3A_952 = arith.constant 2496 : index
    %get3A_953 = tpu.vector_load %arg8[%get3A_952] {strides = array<i32>} : memref<2560xi32, #tpu.memory_space<vmem>>, vector<16xi32>,
    %add3A_954 = arith.constant 512 : i32
    %add3A_955 = vector.broadcast %add3A_954 : i32 to vector<16xi32>
    %add3A_956 = arith.addi %get3A_953, %add3A_955 : vector<16xi32>
    tpu.vector_store_idx %arg9[%add3A_956], %broadcast_in_dim3A_128 {add = true} : memref<640xf32, #tpu.memory_space<vmem>>[vector<16xi32>], vector<16xf32>,
    %get3A_957 = arith.constant 2512 : index
    %get3A_958 = tpu.vector_load %arg8[%get3A_957] {strides = array<i32>} : memref<2560xi32, #tpu.memory_space<vmem>>, vector<16xi32>,
    %add3A_959 = arith.constant 512 : i32
    %add3A_960 = vector.broadcast %add3A_959 : i32 to vector<16xi32>
    %add3A_961 = arith.addi %get3A_958, %add3A_960 : vector<16xi32>
    tpu.vector_store_idx %arg9[%add3A_961], %broadcast_in_dim3A_128 {add = true} : memref<640xf32, #tpu.memory_space<vmem>>[vector<16xi32>], vector<16xf32>,
    %get3A_962 = arith.constant 2528 : index
    %get3A_963 = tpu.vector_load %arg8[%get3A_962] {strides = array<i32>} : memref<2560xi32, #tpu.memory_space<vmem>>, vector<16xi32>,
    %add3A_964 = arith.constant 512 : i32
    %add3A_965 = vector.broadcast %add3A_964 : i32 to vector<16xi32>
    %add3A_966 = arith.addi %get3A_963, %add3A_965 : vector<16xi32>
    tpu.vector_store_idx %arg9[%add3A_966], %broadcast_in_dim3A_128 {add = true} : memref<640xf32, #tpu.memory_space<vmem>>[vector<16xi32>], vector<16xf32>,
    %get3A_967 = arith.constant 2544 : index
    %get3A_968 = tpu.vector_load %arg8[%get3A_967] {strides = array<i32>} : memref<2560xi32, #tpu.memory_space<vmem>>, vector<16xi32>,
    %add3A_969 = arith.constant 512 : i32
    %add3A_970 = vector.broadcast %add3A_969 : i32 to vector<16xi32>
    %add3A_971 = arith.addi %get3A_968, %add3A_970 : vector<16xi32>
    tpu.vector_store_idx %arg9[%add3A_971], %broadcast_in_dim3A_128 {add = true} : memref<640xf32, #tpu.memory_space<vmem>>[vector<16xi32>], vector<16xf32>,
    "tpu.region"() ({
      %run_scoped3A = tpu.sem_alloc : memref<!tpu.dma_semaphore, #tpu.memory_space<semaphore_mem>>
      %dma_start3A_972 = arith.constant 0 : i32
      %dma_start3A_973 = tpu.memref_slice %arg7[%add3A, %dma_start3A_972] : memref<32x640xf32, #tpu.memory_space<hbm>> -> memref<1x640xf32, #tpu.memory_space<hbm>>
      %dma_start3A_974 = tpu.memref_squeeze %dma_start3A_973 : memref<1x640xf32, #tpu.memory_space<hbm>> -> memref<640xf32, #tpu.memory_space<hbm>>
      %dma_start3A_975 = arith.constant 0 : i32
      %dma_start3A_976 = tpu.memref_slice %arg7[%add3A, %dma_start3A_975] : memref<32x640xf32, #tpu.memory_space<hbm>> -> memref<1x640xf32, #tpu.memory_space<hbm>>
      %dma_start3A_977 = tpu.memref_squeeze %dma_start3A_976 : memref<1x640xf32, #tpu.memory_space<hbm>> -> memref<640xf32, #tpu.memory_space<hbm>>
      tpu.enqueue_dma source(%arg9 : memref<640xf32, #tpu.memory_space<vmem>>) target(%dma_start3A_977 : memref<640xf32, #tpu.memory_space<hbm>>) target_semaphore(%run_scoped3A : memref<!tpu.dma_semaphore, #tpu.memory_space<semaphore_mem>>)
      %dma_wait3A_978 = arith.constant 0 : i32
      %dma_wait3A_979 = tpu.memref_slice %arg7[%add3A, %dma_wait3A_978] : memref<32x640xf32, #tpu.memory_space<hbm>> -> memref<1x640xf32, #tpu.memory_space<hbm>>
      %dma_wait3A_980 = tpu.memref_squeeze %dma_wait3A_979 : memref<1x640xf32, #tpu.memory_space<hbm>> -> memref<640xf32, #tpu.memory_space<hbm>>
      %dma_wait3A_981 = arith.constant 0 : i32
      %dma_wait3A_982 = tpu.memref_slice %arg7[%add3A, %dma_wait3A_981] : memref<32x640xf32, #tpu.memory_space<hbm>> -> memref<1x640xf32, #tpu.memory_space<hbm>>
      %dma_wait3A_983 = tpu.memref_squeeze %dma_wait3A_982 : memref<1x640xf32, #tpu.memory_space<hbm>> -> memref<640xf32, #tpu.memory_space<hbm>>
      tpu.wait_dma2 semaphore(%run_scoped3A : memref<!tpu.dma_semaphore, #tpu.memory_space<semaphore_mem>>) src(%arg9 : memref<640xf32, #tpu.memory_space<vmem>>) dst(%dma_wait3A_983 : memref<640xf32, #tpu.memory_space<hbm>>)
      tpu.yield
    }) : () -> ()
    return
  }
}

module attributes {stable_mosaic.version = 14 : i64} {
  func.func @_tc_combine_body(%arg0: memref<32x640xf32, #tpu.memory_space<vmem>>, %arg1: memref<2x512xf32, #tpu.memory_space<vmem>>, %arg2: memref<128x512xf32, #tpu.memory_space<vmem>>, %arg3: memref<128x512xf32, #tpu.memory_space<vmem>>, %arg4: memref<128x512xf32, #tpu.memory_space<vmem>>, %arg5: memref<1x2560xf32, #tpu.memory_space<vmem>>) attributes {dimension_semantics = [], scalar_prefetch = 0 : i64, scratch_operands = 0 : i64, tpu.core_type = #tpu.core_type<tc>} {
    %get3A = arith.constant 0 : index
    %get3A_0 = arith.constant 0 : index
    %get3A_1 = vector.load %arg0[%get3A, %get3A_0] : memref<32x640xf32, #tpu.memory_space<vmem>>, vector<32x640xf32>
    %slice3A = vector.extract_strided_slice %get3A_1 {offsets = [0, 0], sizes = [32, 128], strides = [1, 1]} : vector<32x640xf32> to vector<32x128xf32>
    %reduce_sum3A = arith.constant dense<0.000000e+00> : vector<128xf32>
    %reduce_sum3A_2 = vector.multi_reduction <add>, %slice3A, %reduce_sum3A [0] : vector<32x128xf32> to vector<128xf32>
    %broadcast_in_dim3A = vector.shape_cast %reduce_sum3A_2 : vector<128xf32> to vector<1x128xf32>
    %slice3A_3 = vector.extract_strided_slice %broadcast_in_dim3A {offsets = [0, 0], sizes = [1, 2], strides = [1, 1]} : vector<1x128xf32> to vector<1x2xf32>
    %get3A_4 = arith.constant 0 : index
    %get3A_5 = arith.constant 0 : index
    %get3A_6 = vector.load %arg1[%get3A_4, %get3A_5] : memref<2x512xf32, #tpu.memory_space<vmem>>, vector<2x512xf32>
    %dot_general3A = arith.constant dense<0.000000e+00> : vector<1x512xf32>
    %dot_general3A_7 = tpu.matmul %slice3A_3, %get3A_6, %dot_general3A {dimension_numbers = #tpu.dot_dimension_numbers<[1], [0], [0], [1], [0, 0, 1, 1], [], []>, precision = #tpu.contract_precision<fp32>, transpose_lhs_hint = false} : vector<1x2xf32>, vector<2x512xf32>, vector<1x512xf32> -> vector<1x512xf32>
    %swap3A = arith.constant 0 : index
    %swap3A_8 = arith.constant 0 : index
    %swap3A_9 = vector.load %arg5[%swap3A, %swap3A_8] : memref<1x2560xf32, #tpu.memory_space<vmem>>, vector<1x512xf32>
    tpu.vector_store %arg5[%swap3A, %swap3A_8], %dot_general3A_7 {strides = array<i32>} : memref<1x2560xf32, #tpu.memory_space<vmem>>, vector<1x512xf32>,
    %slice3A_10 = vector.extract_strided_slice %get3A_1 {offsets = [0, 128], sizes = [32, 128], strides = [1, 1]} : vector<32x640xf32> to vector<32x128xf32>
    %reduce_sum3A_11 = arith.constant dense<0.000000e+00> : vector<128xf32>
    %reduce_sum3A_12 = vector.multi_reduction <add>, %slice3A_10, %reduce_sum3A_11 [0] : vector<32x128xf32> to vector<128xf32>
    %broadcast_in_dim3A_13 = vector.shape_cast %reduce_sum3A_12 : vector<128xf32> to vector<1x128xf32>
    %get3A_14 = arith.constant 0 : index
    %get3A_15 = arith.constant 0 : index
    %get3A_16 = vector.load %arg2[%get3A_14, %get3A_15] : memref<128x512xf32, #tpu.memory_space<vmem>>, vector<128x512xf32>
    %dot_general3A_17 = arith.constant dense<0.000000e+00> : vector<1x512xf32>
    %dot_general3A_18 = tpu.matmul %broadcast_in_dim3A_13, %get3A_16, %dot_general3A_17 {dimension_numbers = #tpu.dot_dimension_numbers<[1], [0], [0], [1], [0, 0, 1, 1], [], []>, precision = #tpu.contract_precision<fp32>, transpose_lhs_hint = false} : vector<1x128xf32>, vector<128x512xf32>, vector<1x512xf32> -> vector<1x512xf32>
    %swap3A_19 = arith.constant 0 : index
    %swap3A_20 = arith.constant 512 : index
    %swap3A_21 = vector.load %arg5[%swap3A_19, %swap3A_20] : memref<1x2560xf32, #tpu.memory_space<vmem>>, vector<1x512xf32>
    tpu.vector_store %arg5[%swap3A_19, %swap3A_20], %dot_general3A_18 {strides = array<i32>} : memref<1x2560xf32, #tpu.memory_space<vmem>>, vector<1x512xf32>,
    %slice3A_22 = vector.extract_strided_slice %get3A_1 {offsets = [0, 256], sizes = [32, 128], strides = [1, 1]} : vector<32x640xf32> to vector<32x128xf32>
    %reduce_sum3A_23 = arith.constant dense<0.000000e+00> : vector<128xf32>
    %reduce_sum3A_24 = vector.multi_reduction <add>, %slice3A_22, %reduce_sum3A_23 [0] : vector<32x128xf32> to vector<128xf32>
    %broadcast_in_dim3A_25 = vector.shape_cast %reduce_sum3A_24 : vector<128xf32> to vector<1x128xf32>
    %get3A_26 = arith.constant 0 : index
    %get3A_27 = arith.constant 0 : index
    %get3A_28 = vector.load %arg2[%get3A_26, %get3A_27] : memref<128x512xf32, #tpu.memory_space<vmem>>, vector<128x512xf32>
    %dot_general3A_29 = arith.constant dense<0.000000e+00> : vector<1x512xf32>
    %dot_general3A_30 = tpu.matmul %broadcast_in_dim3A_25, %get3A_28, %dot_general3A_29 {dimension_numbers = #tpu.dot_dimension_numbers<[1], [0], [0], [1], [0, 0, 1, 1], [], []>, precision = #tpu.contract_precision<fp32>, transpose_lhs_hint = false} : vector<1x128xf32>, vector<128x512xf32>, vector<1x512xf32> -> vector<1x512xf32>
    %swap3A_31 = arith.constant 0 : index
    %swap3A_32 = arith.constant 1024 : index
    %swap3A_33 = vector.load %arg5[%swap3A_31, %swap3A_32] : memref<1x2560xf32, #tpu.memory_space<vmem>>, vector<1x512xf32>
    tpu.vector_store %arg5[%swap3A_31, %swap3A_32], %dot_general3A_30 {strides = array<i32>} : memref<1x2560xf32, #tpu.memory_space<vmem>>, vector<1x512xf32>,
    %slice3A_34 = vector.extract_strided_slice %get3A_1 {offsets = [0, 384], sizes = [32, 128], strides = [1, 1]} : vector<32x640xf32> to vector<32x128xf32>
    %reduce_sum3A_35 = arith.constant dense<0.000000e+00> : vector<128xf32>
    %reduce_sum3A_36 = vector.multi_reduction <add>, %slice3A_34, %reduce_sum3A_35 [0] : vector<32x128xf32> to vector<128xf32>
    %broadcast_in_dim3A_37 = vector.shape_cast %reduce_sum3A_36 : vector<128xf32> to vector<1x128xf32>
    %get3A_38 = arith.constant 0 : index
    %get3A_39 = arith.constant 0 : index
    %get3A_40 = vector.load %arg3[%get3A_38, %get3A_39] : memref<128x512xf32, #tpu.memory_space<vmem>>, vector<128x512xf32>
    %dot_general3A_41 = arith.constant dense<0.000000e+00> : vector<1x512xf32>
    %dot_general3A_42 = tpu.matmul %broadcast_in_dim3A_37, %get3A_40, %dot_general3A_41 {dimension_numbers = #tpu.dot_dimension_numbers<[1], [0], [0], [1], [0, 0, 1, 1], [], []>, precision = #tpu.contract_precision<fp32>, transpose_lhs_hint = false} : vector<1x128xf32>, vector<128x512xf32>, vector<1x512xf32> -> vector<1x512xf32>
    %swap3A_43 = arith.constant 0 : index
    %swap3A_44 = arith.constant 1536 : index
    %swap3A_45 = vector.load %arg5[%swap3A_43, %swap3A_44] : memref<1x2560xf32, #tpu.memory_space<vmem>>, vector<1x512xf32>
    tpu.vector_store %arg5[%swap3A_43, %swap3A_44], %dot_general3A_42 {strides = array<i32>} : memref<1x2560xf32, #tpu.memory_space<vmem>>, vector<1x512xf32>,
    %slice3A_46 = vector.extract_strided_slice %get3A_1 {offsets = [0, 512], sizes = [32, 128], strides = [1, 1]} : vector<32x640xf32> to vector<32x128xf32>
    %reduce_sum3A_47 = arith.constant dense<0.000000e+00> : vector<128xf32>
    %reduce_sum3A_48 = vector.multi_reduction <add>, %slice3A_46, %reduce_sum3A_47 [0] : vector<32x128xf32> to vector<128xf32>
    %broadcast_in_dim3A_49 = vector.shape_cast %reduce_sum3A_48 : vector<128xf32> to vector<1x128xf32>
    %get3A_50 = arith.constant 0 : index
    %get3A_51 = arith.constant 0 : index
    %get3A_52 = vector.load %arg4[%get3A_50, %get3A_51] : memref<128x512xf32, #tpu.memory_space<vmem>>, vector<128x512xf32>
    %dot_general3A_53 = arith.constant dense<0.000000e+00> : vector<1x512xf32>
    %dot_general3A_54 = tpu.matmul %broadcast_in_dim3A_49, %get3A_52, %dot_general3A_53 {dimension_numbers = #tpu.dot_dimension_numbers<[1], [0], [0], [1], [0, 0, 1, 1], [], []>, precision = #tpu.contract_precision<fp32>, transpose_lhs_hint = false} : vector<1x128xf32>, vector<128x512xf32>, vector<1x512xf32> -> vector<1x512xf32>
    %swap3A_55 = arith.constant 0 : index
    %swap3A_56 = arith.constant 2048 : index
    %swap3A_57 = vector.load %arg5[%swap3A_55, %swap3A_56] : memref<1x2560xf32, #tpu.memory_space<vmem>>, vector<1x512xf32>
    tpu.vector_store %arg5[%swap3A_55, %swap3A_56], %dot_general3A_54 {strides = array<i32>} : memref<1x2560xf32, #tpu.memory_space<vmem>>, vector<1x512xf32>,
    return
  }
}

</mosaic_0001>

<sc_bundles>
// kernel: kernel.4.cloned.1.call-start
scs
__scs_entry_jumppad:
0x0: {  	(pc) =	sbr.rel $0x88, $3  }
0x1: {  	(tag) =	ssettag $0x0;
	lr =	simm.s32 $0x1  }
0x2: {  	[smem:$0x3F98] =	sst lr;
	_ =	strace $0xD0000000  }
0x3: {  	_ = 	snop  }
0x4: {  	_ = 	snop  }
0x5: {  	_ = 	snop  }
0x6: {  	_ = 	snop  }
0x7: {  	_ = 	snop  }
__scs_overlays_trampoline_lowered:
0x8: {  	[smem:$0x3FA7] =	sst s0  }
0x9: {  	[smem:$0x3FA8] =	sst s1  }
0xa: {  	[smem:$0x3FA9] =	sst s2  }
0xb: {  	[smem:$0x3FAA] =	sst s3  }
0xc: {  	[smem:$0x3FAB] =	sst s4  }
0xd: {  	[smem:$0x3FAC] =	sst s5  }
0xe: {  	[smem:$0x3FAD] =	sst s6  }
0xf: {  	[smem:$0x3FAE] =	sst s7  }
0x10: {  	[smem:$0x3FAF] =	sst s8  }
0x11: {  	[smem:$0x3FB0] =	sst s9;
	s0 =	simm.s32 @!p0 $0x0  }
0x12: {  	s1 =	sld [smem:$0x3F96];
	s0 =	simm.s32 @p0 $0x1  }
0x13: {  	[smem:$0x3FB1] =	sst s0;
	s0 =	simm.s32 @!p1 $0x0  }
0x14: {  	s2 =	sld [smem:$0x3F95];
	s0 =	simm.s32 @p1 $0x1  }
0x15: {  	[smem:$0x3FB2] =	sst s0;
	s0 =	simm.s32 @!p2 $0x0  }
0x16: {  	s3 =	sld [smem:$0x3FDB];
	s0 =	simm.s32 @p2 $0x1  }
0x17: {  	s4 =	simm.s32 $0x1BF5;
	[smem:$0x3FB4] =	sst s0  }
0x18: {  	s0 =	sld [smem:$0x3F97];
	_ =	swait.ge [sflag:s4], $0x0  }
0x19: {  	s7 =	sld [smem:$0x3F98]  }
0x1a: {  	s8 =	sadd.s32 $0xFFFFE003, lr  }
0x1b: {  	s9 =	sadd.s32 $0xFFFFFEF7, lr;
	s5 =	simm.s32 $0xFFFFFFFF;
	p2 =	slt.u32 s8, $0xFFFFF086  }
0x1c: {  	p1 =	slt.u32 s9, $0xF7A;
	s5 =	simm.s32 @!p2 $0x0  }
0x1d: {  	s5 =	simm.s32 @p1 $0x1;
	p0 =	seq.s32 s7, s2  }
0x1e: {  	s7 =	smul.u32 @!p0 $0xF7A, s2;
	p2 =	seq.s32 @!p0 s5, $0x0  }
0x1f: {  	s9 =	smul.u32 $0xF7A, s1;
	s8 =	simm.s32 @!p0 $0x1BF5;
	p2 =	por !p2, p0  }
0x20: {  	[sflag:s8] =	ssyncset.s32 @!p0 $0xFFFFF086;
	s6 =	sadd.s32 @!p0 s3, s7;
	s7 =	simm.s32 @!p0 $0x108  }
0x21: {  	s3 =	sadd.s32 s3, s9;
	s6 =	sadd.s32 @!p0 $0x88, s6;
	s7 =	simm.s32 @p2 $0x1082  }
0x22: {  	[simem:s7], [sflag:s8] =	dma.local @!p0 [hbm:s6], $0xF7A  }
0x23: {  	s9 =	sor.u32 $0xD0000000, s2;
	s6 =	simm.s32 $0x108;
	_ =	swait.ge @!p0 [sflag:s8], $0x0  }
0x24: {  	s3 =	sadd.s32 $0x88, s3;
	s6 =	simm.s32 @!p1 $0x1082;
	[sflag:s4] =	ssyncset.s32 $0xFFFFF086  }
0x25: {  	[simem:s6], [sflag:s4] =	dma.local [hbm:s3], $0xF7A  }
0x26: {  	[smem:$0x3F98] =	sst s1;
	(tag) =	ssettag s2;
	_ =	strace s9  }
0x27: {  	s1 =	sld [smem:$0x3FA8]  }
0x28: {  	s2 =	sld [smem:$0x3FA9]  }
0x29: {  	s4 =	sld [smem:$0x3FAB]  }
0x2a: {  	p0 =	seq.s32 s5, $0x0;
	s5 =	sld [smem:$0x3FAC]  }
0x2b: {  	s6 =	sld [smem:$0x3FAD]  }
0x2c: {  	s7 =	sld [smem:$0x3FAE]  }
0x2d: {  	s3 =	simm.s32 $0x108;
	s8 =	sld [smem:$0x3FAF]  }
0x2e: {  	s3 =	simm.s32 @!p0 $0x1082;
	s9 =	sld [smem:$0x3FB0]  }
0x2f: {  	lr =	sadd.s32 s0, s3;
	s0 =	sld [smem:$0x3FA7]  }
0x30: {  	s3 =	sld [smem:$0x3FAA]  }
0x31: {  	[smem:$0x3FB3] =	sst s10  }
0x32: {  	s10 =	sld [smem:$0x3FB1];
	_ =	sdelay $0x3  }
0x33: {  	p0 =	seq.s32 s10, $0x1;
	s10 =	sld [smem:$0x3FB3];
	_ =	sdelay $0x3  }
0x34: {  	[smem:$0x3FB3] =	sst s10  }
0x35: {  	s10 =	sld [smem:$0x3FB2];
	_ =	sdelay $0x3  }
0x36: {  	p1 =	seq.s32 s10, $0x1;
	s10 =	sld [smem:$0x3FB3];
	_ =	sdelay $0x3  }
0x37: {  	[smem:$0x3FB3] =	sst s10  }
0x38: {  	s10 =	sld [smem:$0x3FB4]  }
0x39: {  	_ = 	snop;
	(pc) =	sbr.ind lr, $3  }
0x3a: {  	_ = 	snop  }
0x3b: {  	_ = 	snop  }
0x3c: {  	p2 =	seq.s32 s10, $0x1;
	s10 =	sld [smem:$0x3FB3]  }
0x3d: {  	_ =	shalt  }
0x3e: {  	_ =	shalt  }
0x3f: {  	_ =	shalt  }
0x40: {  	_ =	shalt  }
0x41: {  	_ =	shalt  }
0x42: {  	_ =	shalt  }
0x43: {  	_ =	shalt  }
0x44: {  	_ =	shalt  }
0x45: {  	_ =	shalt  }
0x46: {  	_ =	shalt  }
0x47: {  	_ =	shalt  }
0x48: {  	_ =	shalt  }
0x49: {  	_ =	shalt  }
0x4a: {  	_ =	shalt  }
0x4b: {  	_ =	shalt  }
0x4c: {  	_ =	shalt  }
0x4d: {  	_ =	shalt  }
0x4e: {  	_ =	shalt  }
0x4f: {  	_ =	shalt  }
0x50: {  	_ =	shalt  }
0x51: {  	_ =	shalt  }
0x52: {  	_ =	shalt  }
0x53: {  	_ =	shalt  }
0x54: {  	_ =	shalt  }
0x55: {  	_ =	shalt  }
0x56: {  	_ =	shalt  }
0x57: {  	_ =	shalt  }
0x58: {  	_ =	shalt  }
0x59: {  	_ =	shalt  }
0x5a: {  	_ =	shalt  }
0x5b: {  	_ =	shalt  }
0x5c: {  	_ =	shalt  }
0x5d: {  	_ =	shalt  }
0x5e: {  	_ =	shalt  }
0x5f: {  	_ =	shalt  }
0x60: {  	_ =	shalt  }
0x61: {  	_ =	shalt  }
0x62: {  	_ =	shalt  }
0x63: {  	_ =	shalt  }
0x64: {  	_ =	shalt  }
0x65: {  	_ =	shalt  }
0x66: {  	_ =	shalt  }
0x67: {  	_ =	shalt  }
0x68: {  	_ =	shalt  }
0x69: {  	_ =	shalt  }
0x6a: {  	_ =	shalt  }
0x6b: {  	_ =	shalt  }
0x6c: {  	_ =	shalt  }
0x6d: {  	_ =	shalt  }
0x6e: {  	_ =	shalt  }
0x6f: {  	_ =	shalt  }
0x70: {  	_ =	shalt  }
0x71: {  	_ =	shalt  }
0x72: {  	_ =	shalt  }
0x73: {  	_ =	shalt  }
0x74: {  	_ =	shalt  }
0x75: {  	_ =	shalt  }
0x76: {  	_ =	shalt  }
0x77: {  	_ =	shalt  }
0x78: {  	_ =	shalt  }
0x79: {  	_ =	shalt  }
0x7a: {  	_ =	shalt  }
0x7b: {  	_ =	shalt  }
0x7c: {  	_ =	shalt  }
0x7d: {  	_ =	shalt  }
0x7e: {  	_ =	shalt  }
0x7f: {  	_ =	shalt  }
0x80: {  	_ =	shalt  }
0x81: {  	_ =	shalt  }
0x82: {  	_ =	shalt  }
0x83: {  	_ =	shalt  }
0x84: {  	_ =	shalt  }
0x85: {  	_ =	shalt  }
0x86: {  	_ =	shalt  }
0x87: {  	_ =	shalt  }
.Lfunc_end0:
.L_simem_size_0:
called_computation_lowered:
.L_overlay_start_0:
0x88: {  	s2 =	sld [smem:$0x3FD9]  }
0x89: {  	s3 =	sld [smem:$0x3FFE];
	_ =	sdelay $0x1  }
0x8a: {  	s1 =	srdreg.scid  }
0x8b: {  	s0 =	sand.u32 $0x1, s1  }
0x8c: {  	s17 =	sshll.u32 s0, $0xA;
	s2 =	sadd.s32 s3, s2  }
0x8d: {  	s2 =	sadd.s32 s2, s17  }
0x8e: {  	[smem:$0x3FBF] =	sst s2  }
0x8f: {  	_ = 	snop  }
0x90: {  	s2 =	sld [smem:$0x3FC9]  }
0x91: {  	s18 =	sld [smem:$0x3FC8]  }
0x92: {  	s4 =	sld [smem:$0x3FC7]  }
0x93: {  	s5 =	sld [smem:$0x3FC6]  }
0x94: {  	s6 =	sld [smem:$0x3FC5];
	(tm) =	ssettm $0x1  }
0x95: {  	s7 =	sld [smem:$0x3FFB];
	_ =	sdelay $0x3  }
0x96: {  	_ =	strace s7  }
0x97: {  	s7 =	sld [smem:$0x3FFC];
	_ =	sdelay $0x3  }
0x98: {  	_ =	strace s7  }
0x99: {  	s7 =	sld [smem:$0x3FFD];
	_ =	sdelay $0x3  }
0x9a: {  	_ =	strace s7  }
0x9b: {  	_ =	strace $0x8FFFFFFF  }
0x9c: {  	s19 =	sld [smem:$0x3FDB];
	_ =	sdelay $0x1  }
0x9d: {  	s8 =	simm.s32 $_scs_section_size  }
0x9e: {  	s9 =	simm.s32 $_size__tile_overlayer_lowered;
	s10 =	simm.s32 $_tile_overlayer_lowered  }
0x9f: {  	s22 =	simm.s32 $0x1BFF;
	s21 =	sshll.u32 s10, $0x1;
	s7 =	sadd.s32 s8, s19  }
0xa0: {  	s11 =	simm.s32 $0x0;
	s20 =	sshll.u32 s9, $0x1;
	s9 =	sadd.s32 s21, s7  }
0xa1: {  	[timem:s11], [sflag:s22] =	dma.local [hbm:s9], s20  }
0xa2: {  	_ =	swait.ge [sflag:s22], s20  }
0xa3: {  	s8 =	ssub.s32 $0x0, s20;
	[sflag:s22] =	ssyncset.done $0x0  }
0xa4: {  	[sflag:s22] =	ssyncadd.s32 s8;
	_ =	sdelay $0x1  }
0xa5: {  	s23 =	simm.s32 $0x1B8B  }
0xa6: {  	_ =	swait.ge [sflag:s23], $0x1  }
0xa7: {  	[sflag:s23] =	ssyncset.done $0x0  }
0xa8: {  	s25 =	simm.s32 $0x1B8E;
	s24 =	sld [smem:$0x3FFE];
	[sflag:s23] =	ssyncadd.s32 $0xFFFFFFFF  }
0xa9: {  	s26 =	simm.s32 $execute0_lowered;
	[smem:$0x3FD2] =	sst s25  }
0xaa: {  	s9 =	sshll.u32 s26, $0x1;
	_ =	strace $0x80000046;
	[dreg:$0x1] =	wrdreg $0xFFFFFFFF  }
0xab: {  	s28 =	simm.s32 $_size_execute0_lowered;
	s7 =	sadd.s32 s7, s9;
	[dreg:$0x0] =	wrdreg $0x0  }
0xac: {  	s9 =	sshll.u32 s28, $0x1;
	[dreg:$0x2] =	wrdreg s7  }
0xad: {  	[dreg:$0x3] =	wrdreg s9  }
0xae: {  	[dreg:$0x4] =	wrdreg $0xC0  }
0xaf: {  	_ =	task [dreg:s11], $0x5FFFF  }
0xb0: {  	[dreg:$0x1] =	wrdreg $0xFFFFFFFF  }
0xb1: {  	[dreg:$0x0] =	wrdreg $0x60  }
0xb2: {  	[dreg:$0x2] =	wrdreg s6  }
0xb3: {  	[dreg:$0x3] =	wrdreg s5  }
0xb4: {  	[dreg:$0x4] =	wrdreg s4  }
0xb5: {  	[dreg:$0x5] =	wrdreg s2  }
0xb6: {  	[dreg:$0x6] =	wrdreg s18  }
0xb7: {  	[dreg:$0x7] =	wrdreg s24  }
0xb8: {  	[dreg:$0x8] =	wrdreg $0x9  }
0xb9: {  	_ =	task.clear_ibuf [dreg:s11], $0x9FFFF;
	_ =	strace $0x90000046  }
0xba: {  	s29 =	simm.s32 $0x9;
	_ =	strace $0x80000048  }
0xbb: {  	_ =	swait.ge [sflag:s29], $0x1  }
0xbc: {  	[sflag:s29] =	ssyncadd.s32 $0xFFFFFFFF  }
0xbd: {  	_ =	strace $0x90000048  }
0xbe: {  	_ =	sfence  }
0xbf: {  	s30 =	sld [smem:$0x0];
	_ =	sdelay $0x2  }
0xc0: {  	s31 =	sshll.u32 s1, $0xD;
	s1 =	sshrl.u32 s1, $0x2  }
0xc1: {  	s3 =	sand.u32 $0x4000, s31;
	s1 =	sadd.s32 s1, s30  }
0xc2: {  	s0 =	sor.u32 s3, s0;
	s1 =	sshll.u32 s1, $0x11  }
0xc3: {  	s0 =	sor.u32 s1, s0  }
0xc4: {  	s0 =	sadd.s32 $0x8F2B, s0  }
0xc5: {  	[sflag:s0] =	ssyncadd.remote.s32 $0x1  }
0xc6: {  	_ =	sfence.sel $0xFFFF  }
0xc7: {  	[dreg:$0x0] =	wrdreg $0xFFFFFFFF;
	(pc) =	sbr.abs _section_cstart, $3  }
0xc8: {  	[dreg:$0x1] =	wrdreg $0xFFFFFFFF  }
0xc9: {  	_ =	task.clear_ibuf [dreg:s11], $0x2FFFF;
	_ =	strace $0x9FFFFFFF  }
0xca: {  	(tm) =	ssettm $0x7FFFFFFF  }
0xcb: {  	_ =	shalt  }
tec
execute0_lowered:
.L_overlay_start_1:
0x0: {  	(tag) =	ssettag $0x1  }
0x1: {  	s3 =	rddreg [dreg:$0x0]  }
0x2: {  	s4 =	rddreg [dreg:$0x1]  }
0x3: {  	s5 =	rddreg [dreg:$0x2]  }
0x4: {  	s6 =	rddreg [dreg:$0x3]  }
0x5: {  	s7 =	rddreg [dreg:$0x4];
	s1 =	srdreg.scid  }
0x6: {  	s0 =	stileid.u32;
	s8 =	rddreg [dreg:$0x5];
	s13 =	simm.s32 $0x800  }
0x7: {  	s14 =	simm.s32 $0x1;
	s15 =	simm.s32 $0xA00;
	s16 =	simm.s32 $0x2  }
0x8: {  	s17 =	simm.s32 $0x3;
	s18 =	simm.s32 $0x4;
	s19 =	simm.s32 $0x5  }
0x9: {  	s20 =	simm.s32 $0x80;
	s21 =	simm.s32 $0x6;
	s9 =	sand.u32 $0x1, s1  }
0xa: {  	s2 =	sshll.u32 s0, $0x1;
	s1 =	rddreg [dreg:$0x6];
	s11 =	sshrl.u32 s0, $0x2  }
0xb: {  	s10 =	sor.u32 s9, s2;
	s2 =	simm.s32 $0x0;
	s11 =	smul.u32 $0x1400, s11  }
0xc: {  	s9 =	ssub.s32 $0x2, s9;
	s12 =	sshll.u32 s10, $0x7;
	[smem:$0x7FF] =	sst s2  }
0xd: {  	s31 =	sshrl.u32 s9, $0x1;
	s10 =	sshll.u32 s10, $0x6;
	s12 =	sand.u32 $0x380, s12  }
0xe: {  	_ =	strace $0x80000047;
	s9 =	ssub.s32 s9, s31;
	s3 =	sadd.s32 s3, s10  }
0xf: {  	s4 =	sadd.s32 s4, s10;
	s5 =	sadd.s32 s5, s10;
	s11 =	sor.u32 s11, s12  }
0x10: {  	s6 =	sadd.s32 s6, s10;
	s7 =	sadd.s32 s7, s10;
	s11 =	sshrl.u32 s11, $0x3  }
0x11: {  	s10 =	simm.s32 $0x200;
	s9 =	smax.u32 s9, $0x1;
	s8 =	sadd.s32 s11, s8  }
0x12: {  	v0 =	vimm.f32 $0.0e+00;
	v1 =	vimm.f32 $1.000000000e+00;
	s12 =	simm.s32 $0x600;
	s11 =	simm.s32 $0x400;
	s8 =	sadd.s32 $0xE00, s8  }
.LBB2_1:
0x13: {  	[tilespmem:s2], [sflag:$0x1] =	stream.linear.gather [hbm4b:s3+s2], $0x200, $0x38;
	[tilespmem:$0xC80] =	vst v63  }
0x14: {  	_ = 	snop  }
0x15: {  	[tilespmem:s10], [sflag:$0x2] =	stream.linear.gather [hbm4b:s4+s2], $0x200, $0x38;
	[tilespmem:$0xC80] =	vst v63  }
0x16: {  	_ = 	snop  }
0x17: {  	[tilespmem:s11], [sflag:$0x3] =	stream.linear.gather [hbm4b:s5+s2], $0x200, $0x38;
	[tilespmem:$0xC80] =	vst v63  }
0x18: {  	_ = 	snop  }
0x19: {  	[tilespmem:s12], [sflag:$0x4] =	stream.linear.gather [hbm4b:s6+s2], $0x200, $0x38;
	[tilespmem:$0xC80] =	vst v63  }
0x1a: {  	_ = 	snop  }
0x1b: {  	[tilespmem:s13], [sflag:$0x5] =	stream.linear.gather [hbm4b:s7+s2], $0x200, $0x38;
	[tilespmem:$0xC80] =	vst v63  }
0x1c: {  	[tilespmem:$0xA00] =	vst v0  }
0x1d: {  	[tilespmem:$0xA10] =	vst v0  }
0x1e: {  	[tilespmem:$0xA20] =	vst v0  }
0x1f: {  	[tilespmem:$0xA30] =	vst v0  }
0x20: {  	[tilespmem:$0xA40] =	vst v0  }
0x21: {  	[tilespmem:$0xA50] =	vst v0  }
0x22: {  	[tilespmem:$0xA60] =	vst v0  }
0x23: {  	[tilespmem:$0xA70] =	vst v0  }
0x24: {  	[tilespmem:$0xA80] =	vst v0  }
0x25: {  	[tilespmem:$0xA90] =	vst v0  }
0x26: {  	[tilespmem:$0xAA0] =	vst v0  }
0x27: {  	[tilespmem:$0xAB0] =	vst v0  }
0x28: {  	[tilespmem:$0xAC0] =	vst v0  }
0x29: {  	[tilespmem:$0xAD0] =	vst v0  }
0x2a: {  	[tilespmem:$0xAE0] =	vst v0  }
0x2b: {  	[tilespmem:$0xAF0] =	vst v0  }
0x2c: {  	[tilespmem:$0xB00] =	vst v0  }
0x2d: {  	[tilespmem:$0xB10] =	vst v0  }
0x2e: {  	[tilespmem:$0xB20] =	vst v0  }
0x2f: {  	[tilespmem:$0xB30] =	vst v0  }
0x30: {  	[tilespmem:$0xB40] =	vst v0  }
0x31: {  	[tilespmem:$0xB50] =	vst v0  }
0x32: {  	[tilespmem:$0xB60] =	vst v0  }
0x33: {  	[tilespmem:$0xB70] =	vst v0  }
0x34: {  	[tilespmem:$0xB80] =	vst v0  }
0x35: {  	[tilespmem:$0xB90] =	vst v0  }
0x36: {  	[tilespmem:$0xBA0] =	vst v0  }
0x37: {  	[tilespmem:$0xBB0] =	vst v0  }
0x38: {  	[tilespmem:$0xBC0] =	vst v0  }
0x39: {  	[tilespmem:$0xBD0] =	vst v0  }
0x3a: {  	[tilespmem:$0xBE0] =	vst v0  }
0x3b: {  	[tilespmem:$0xBF0] =	vst v0  }
0x3c: {  	[tilespmem:$0xC00] =	vst v0  }
0x3d: {  	[tilespmem:$0xC10] =	vst v0  }
0x3e: {  	[tilespmem:$0xC20] =	vst v0  }
0x3f: {  	[tilespmem:$0xC30] =	vst v0  }
0x40: {  	[tilespmem:$0xC40] =	vst v0  }
0x41: {  	[tilespmem:$0xC50] =	vst v0  }
0x42: {  	[tilespmem:$0xC60] =	vst v0  }
0x43: {  	[tilespmem:$0xC70] =	vst v0  }
0x44: {  	_ =	swait.ge [sflag:s14], $0x200  }
0x45: {  	[sflag:s14] =	ssyncset.done $0x0  }
0x46: {  	[sflag:s14] =	ssyncadd.s32 $0xFFFFFE00  }
0x47: {  	v2 =	vld [tilespmem:$0x0];
	_ =	sdelay $0x7  }
0x48: {  	[tilespmem:v2+s15+$0x0] =	vst.idx.add.f32.msk $0xffff, v1  }
0x49: {  	v2 =	vld [tilespmem:$0x10];
	_ =	sdelay $0x7  }
0x4a: {  	[tilespmem:v2+s15+$0x0] =	vst.idx.add.f32.msk $0xffff, v1  }
0x4b: {  	v2 =	vld [tilespmem:$0x20];
	_ =	sdelay $0x7  }
0x4c: {  	[tilespmem:v2+s15+$0x0] =	vst.idx.add.f32.msk $0xffff, v1  }
0x4d: {  	v2 =	vld [tilespmem:$0x30];
	_ =	sdelay $0x7  }
0x4e: {  	[tilespmem:v2+s15+$0x0] =	vst.idx.add.f32.msk $0xffff, v1  }
0x4f: {  	v2 =	vld [tilespmem:$0x40];
	_ =	sdelay $0x7  }
0x50: {  	[tilespmem:v2+s15+$0x0] =	vst.idx.add.f32.msk $0xffff, v1  }
0x51: {  	v2 =	vld [tilespmem:$0x50];
	_ =	sdelay $0x7  }
0x52: {  	[tilespmem:v2+s15+$0x0] =	vst.idx.add.f32.msk $0xffff, v1  }
0x53: {  	v2 =	vld [tilespmem:$0x60];
	_ =	sdelay $0x7  }
0x54: {  	[tilespmem:v2+s15+$0x0] =	vst.idx.add.f32.msk $0xffff, v1  }
0x55: {  	v2 =	vld [tilespmem:$0x70];
	_ =	sdelay $0x7  }
0x56: {  	[tilespmem:v2+s15+$0x0] =	vst.idx.add.f32.msk $0xffff, v1  }
0x57: {  	v2 =	vld [tilespmem:$0x80];
	_ =	sdelay $0x7  }
0x58: {  	[tilespmem:v2+s15+$0x0] =	vst.idx.add.f32.msk $0xffff, v1  }
0x59: {  	v2 =	vld [tilespmem:$0x90];
	_ =	sdelay $0x7  }
0x5a: {  	[tilespmem:v2+s15+$0x0] =	vst.idx.add.f32.msk $0xffff, v1  }
0x5b: {  	v2 =	vld [tilespmem:$0xA0];
	_ =	sdelay $0x7  }
0x5c: {  	[tilespmem:v2+s15+$0x0] =	vst.idx.add.f32.msk $0xffff, v1  }
0x5d: {  	v2 =	vld [tilespmem:$0xB0];
	_ =	sdelay $0x7  }
0x5e: {  	[tilespmem:v2+s15+$0x0] =	vst.idx.add.f32.msk $0xffff, v1  }
0x5f: {  	v2 =	vld [tilespmem:$0xC0];
	_ =	sdelay $0x7  }
0x60: {  	[tilespmem:v2+s15+$0x0] =	vst.idx.add.f32.msk $0xffff, v1  }
0x61: {  	v2 =	vld [tilespmem:$0xD0];
	_ =	sdelay $0x7  }
0x62: {  	[tilespmem:v2+s15+$0x0] =	vst.idx.add.f32.msk $0xffff, v1  }
0x63: {  	v2 =	vld [tilespmem:$0xE0];
	_ =	sdelay $0x7  }
0x64: {  	[tilespmem:v2+s15+$0x0] =	vst.idx.add.f32.msk $0xffff, v1  }
0x65: {  	v2 =	vld [tilespmem:$0xF0];
	_ =	sdelay $0x7  }
0x66: {  	[tilespmem:v2+s15+$0x0] =	vst.idx.add.f32.msk $0xffff, v1  }
0x67: {  	v2 =	vld [tilespmem:$0x100];
	_ =	sdelay $0x7  }
0x68: {  	[tilespmem:v2+s15+$0x0] =	vst.idx.add.f32.msk $0xffff, v1  }
0x69: {  	v2 =	vld [tilespmem:$0x110];
	_ =	sdelay $0x7  }
0x6a: {  	[tilespmem:v2+s15+$0x0] =	vst.idx.add.f32.msk $0xffff, v1  }
0x6b: {  	v2 =	vld [tilespmem:$0x120];
	_ =	sdelay $0x7  }
0x6c: {  	[tilespmem:v2+s15+$0x0] =	vst.idx.add.f32.msk $0xffff, v1  }
0x6d: {  	v2 =	vld [tilespmem:$0x130];
	_ =	sdelay $0x7  }
0x6e: {  	[tilespmem:v2+s15+$0x0] =	vst.idx.add.f32.msk $0xffff, v1  }
0x6f: {  	v2 =	vld [tilespmem:$0x140];
	_ =	sdelay $0x7  }
0x70: {  	[tilespmem:v2+s15+$0x0] =	vst.idx.add.f32.msk $0xffff, v1  }
0x71: {  	v2 =	vld [tilespmem:$0x150];
	_ =	sdelay $0x7  }
0x72: {  	[tilespmem:v2+s15+$0x0] =	vst.idx.add.f32.msk $0xffff, v1  }
0x73: {  	v2 =	vld [tilespmem:$0x160];
	_ =	sdelay $0x7  }
0x74: {  	[tilespmem:v2+s15+$0x0] =	vst.idx.add.f32.msk $0xffff, v1  }
0x75: {  	v2 =	vld [tilespmem:$0x170];
	_ =	sdelay $0x7  }
0x76: {  	[tilespmem:v2+s15+$0x0] =	vst.idx.add.f32.msk $0xffff, v1  }
0x77: {  	v2 =	vld [tilespmem:$0x180];
	_ =	sdelay $0x7  }
0x78: {  	[tilespmem:v2+s15+$0x0] =	vst.idx.add.f32.msk $0xffff, v1  }
0x79: {  	v2 =	vld [tilespmem:$0x190];
	_ =	sdelay $0x7  }
0x7a: {  	[tilespmem:v2+s15+$0x0] =	vst.idx.add.f32.msk $0xffff, v1  }
0x7b: {  	v2 =	vld [tilespmem:$0x1A0];
	_ =	sdelay $0x7  }
0x7c: {  	[tilespmem:v2+s15+$0x0] =	vst.idx.add.f32.msk $0xffff, v1  }
0x7d: {  	v2 =	vld [tilespmem:$0x1B0];
	_ =	sdelay $0x7  }
0x7e: {  	[tilespmem:v2+s15+$0x0] =	vst.idx.add.f32.msk $0xffff, v1  }
0x7f: {  	v2 =	vld [tilespmem:$0x1C0];
	_ =	sdelay $0x7  }
0x80: {  	[tilespmem:v2+s15+$0x0] =	vst.idx.add.f32.msk $0xffff, v1  }
0x81: {  	v2 =	vld [tilespmem:$0x1D0];
	_ =	sdelay $0x7  }
0x82: {  	[tilespmem:v2+s15+$0x0] =	vst.idx.add.f32.msk $0xffff, v1  }
0x83: {  	v2 =	vld [tilespmem:$0x1E0];
	_ =	sdelay $0x7  }
0x84: {  	[tilespmem:v2+s15+$0x0] =	vst.idx.add.f32.msk $0xffff, v1  }
0x85: {  	v2 =	vld [tilespmem:$0x1F0];
	_ =	sdelay $0x7  }
0x86: {  	[tilespmem:v2+s15+$0x0] =	vst.idx.add.f32.msk $0xffff, v1  }
0x87: {  	_ =	swait.ge [sflag:s16], $0x200  }
0x88: {  	[sflag:s16] =	ssyncset.done $0x0  }
0x89: {  	[sflag:s16] =	ssyncadd.s32 $0xFFFFFE00  }
0x8a: {  	v2 =	vld [tilespmem:$0x200];
	_ =	sdelay $0x4  }
0x8b: {  	v2 =	vadd.s32 $0x80, v2;
	_ =	sdelay $0x4  }
0x8c: {  	[tilespmem:v2+s15+$0x0] =	vst.idx.add.f32.msk $0xffff, v1  }
0x8d: {  	v2 =	vld [tilespmem:$0x210];
	_ =	sdelay $0x4  }
0x8e: {  	v2 =	vadd.s32 $0x80, v2;
	_ =	sdelay $0x4  }
0x8f: {  	[tilespmem:v2+s15+$0x0] =	vst.idx.add.f32.msk $0xffff, v1  }
0x90: {  	v2 =	vld [tilespmem:$0x220];
	_ =	sdelay $0x4  }
0x91: {  	v2 =	vadd.s32 $0x80, v2;
	_ =	sdelay $0x4  }
0x92: {  	[tilespmem:v2+s15+$0x0] =	vst.idx.add.f32.msk $0xffff, v1  }
0x93: {  	v2 =	vld [tilespmem:$0x230];
	_ =	sdelay $0x4  }
0x94: {  	v2 =	vadd.s32 $0x80, v2;
	_ =	sdelay $0x4  }
0x95: {  	[tilespmem:v2+s15+$0x0] =	vst.idx.add.f32.msk $0xffff, v1  }
0x96: {  	v2 =	vld [tilespmem:$0x240];
	_ =	sdelay $0x4  }
0x97: {  	v2 =	vadd.s32 $0x80, v2;
	_ =	sdelay $0x4  }
0x98: {  	[tilespmem:v2+s15+$0x0] =	vst.idx.add.f32.msk $0xffff, v1  }
0x99: {  	v2 =	vld [tilespmem:$0x250];
	_ =	sdelay $0x4  }
0x9a: {  	v2 =	vadd.s32 $0x80, v2;
	_ =	sdelay $0x4  }
0x9b: {  	[tilespmem:v2+s15+$0x0] =	vst.idx.add.f32.msk $0xffff, v1  }
0x9c: {  	v2 =	vld [tilespmem:$0x260];
	_ =	sdelay $0x4  }
0x9d: {  	v2 =	vadd.s32 $0x80, v2;
	_ =	sdelay $0x4  }
0x9e: {  	[tilespmem:v2+s15+$0x0] =	vst.idx.add.f32.msk $0xffff, v1  }
0x9f: {  	v2 =	vld [tilespmem:$0x270];
	_ =	sdelay $0x4  }
0xa0: {  	v2 =	vadd.s32 $0x80, v2;
	_ =	sdelay $0x4  }
0xa1: {  	[tilespmem:v2+s15+$0x0] =	vst.idx.add.f32.msk $0xffff, v1  }
0xa2: {  	v2 =	vld [tilespmem:$0x280];
	_ =	sdelay $0x4  }
0xa3: {  	v2 =	vadd.s32 $0x80, v2;
	_ =	sdelay $0x4  }
0xa4: {  	[tilespmem:v2+s15+$0x0] =	vst.idx.add.f32.msk $0xffff, v1  }
0xa5: {  	v2 =	vld [tilespmem:$0x290];
	_ =	sdelay $0x4  }
0xa6: {  	v2 =	vadd.s32 $0x80, v2;
	_ =	sdelay $0x4  }
0xa7: {  	[tilespmem:v2+s15+$0x0] =	vst.idx.add.f32.msk $0xffff, v1  }
0xa8: {  	v2 =	vld [tilespmem:$0x2A0];
	_ =	sdelay $0x4  }
0xa9: {  	v2 =	vadd.s32 $0x80, v2;
	_ =	sdelay $0x4  }
0xaa: {  	[tilespmem:v2+s15+$0x0] =	vst.idx.add.f32.msk $0xffff, v1  }
0xab: {  	v2 =	vld [tilespmem:$0x2B0];
	_ =	sdelay $0x4  }
0xac: {  	v2 =	vadd.s32 $0x80, v2;
	_ =	sdelay $0x4  }
0xad: {  	[tilespmem:v2+s15+$0x0] =	vst.idx.add.f32.msk $0xffff, v1  }
0xae: {  	v2 =	vld [tilespmem:$0x2C0];
	_ =	sdelay $0x4  }
0xaf: {  	v2 =	vadd.s32 $0x80, v2;
	_ =	sdelay $0x4  }
0xb0: {  	[tilespmem:v2+s15+$0x0] =	vst.idx.add.f32.msk $0xffff, v1  }
0xb1: {  	v2 =	vld [tilespmem:$0x2D0];
	_ =	sdelay $0x4  }
0xb2: {  	v2 =	vadd.s32 $0x80, v2;
	_ =	sdelay $0x4  }
0xb3: {  	[tilespmem:v2+s15+$0x0] =	vst.idx.add.f32.msk $0xffff, v1  }
0xb4: {  	v2 =	vld [tilespmem:$0x2E0];
	_ =	sdelay $0x4  }
0xb5: {  	v2 =	vadd.s32 $0x80, v2;
	_ =	sdelay $0x4  }
0xb6: {  	[tilespmem:v2+s15+$0x0] =	vst.idx.add.f32.msk $0xffff, v1  }
0xb7: {  	v2 =	vld [tilespmem:$0x2F0];
	_ =	sdelay $0x4  }
0xb8: {  	v2 =	vadd.s32 $0x80, v2;
	_ =	sdelay $0x4  }
0xb9: {  	[tilespmem:v2+s15+$0x0] =	vst.idx.add.f32.msk $0xffff, v1  }
0xba: {  	v2 =	vld [tilespmem:$0x300];
	_ =	sdelay $0x4  }
0xbb: {  	v2 =	vadd.s32 $0x80, v2;
	_ =	sdelay $0x4  }
0xbc: {  	[tilespmem:v2+s15+$0x0] =	vst.idx.add.f32.msk $0xffff, v1  }
0xbd: {  	v2 =	vld [tilespmem:$0x310];
	_ =	sdelay $0x4  }
0xbe: {  	v2 =	vadd.s32 $0x80, v2;
	_ =	sdelay $0x4  }
0xbf: {  	[tilespmem:v2+s15+$0x0] =	vst.idx.add.f32.msk $0xffff, v1  }
0xc0: {  	v2 =	vld [tilespmem:$0x320];
	_ =	sdelay $0x4  }
0xc1: {  	v2 =	vadd.s32 $0x80, v2;
	_ =	sdelay $0x4  }
0xc2: {  	[tilespmem:v2+s15+$0x0] =	vst.idx.add.f32.msk $0xffff, v1  }
0xc3: {  	v2 =	vld [tilespmem:$0x330];
	_ =	sdelay $0x4  }
0xc4: {  	v2 =	vadd.s32 $0x80, v2;
	_ =	sdelay $0x4  }
0xc5: {  	[tilespmem:v2+s15+$0x0] =	vst.idx.add.f32.msk $0xffff, v1  }
0xc6: {  	v2 =	vld [tilespmem:$0x340];
	_ =	sdelay $0x4  }
0xc7: {  	v2 =	vadd.s32 $0x80, v2;
	_ =	sdelay $0x4  }
0xc8: {  	[tilespmem:v2+s15+$0x0] =	vst.idx.add.f32.msk $0xffff, v1  }
0xc9: {  	v2 =	vld [tilespmem:$0x350];
	_ =	sdelay $0x4  }
0xca: {  	v2 =	vadd.s32 $0x80, v2;
	_ =	sdelay $0x4  }
0xcb: {  	[tilespmem:v2+s15+$0x0] =	vst.idx.add.f32.msk $0xffff, v1  }
0xcc: {  	v2 =	vld [tilespmem:$0x360];
	_ =	sdelay $0x4  }
0xcd: {  	v2 =	vadd.s32 $0x80, v2;
	_ =	sdelay $0x4  }
0xce: {  	[tilespmem:v2+s15+$0x0] =	vst.idx.add.f32.msk $0xffff, v1  }
0xcf: {  	v2 =	vld [tilespmem:$0x370];
	_ =	sdelay $0x4  }
0xd0: {  	v2 =	vadd.s32 $0x80, v2;
	_ =	sdelay $0x4  }
0xd1: {  	[tilespmem:v2+s15+$0x0] =	vst.idx.add.f32.msk $0xffff, v1  }
0xd2: {  	v2 =	vld [tilespmem:$0x380];
	_ =	sdelay $0x4  }
0xd3: {  	v2 =	vadd.s32 $0x80, v2;
	_ =	sdelay $0x4  }
0xd4: {  	[tilespmem:v2+s15+$0x0] =	vst.idx.add.f32.msk $0xffff, v1  }
0xd5: {  	v2 =	vld [tilespmem:$0x390];
	_ =	sdelay $0x4  }
0xd6: {  	v2 =	vadd.s32 $0x80, v2;
	_ =	sdelay $0x4  }
0xd7: {  	[tilespmem:v2+s15+$0x0] =	vst.idx.add.f32.msk $0xffff, v1  }
0xd8: {  	v2 =	vld [tilespmem:$0x3A0];
	_ =	sdelay $0x4  }
0xd9: {  	v2 =	vadd.s32 $0x80, v2;
	_ =	sdelay $0x4  }
0xda: {  	[tilespmem:v2+s15+$0x0] =	vst.idx.add.f32.msk $0xffff, v1  }
0xdb: {  	v2 =	vld [tilespmem:$0x3B0];
	_ =	sdelay $0x4  }
0xdc: {  	v2 =	vadd.s32 $0x80, v2;
	_ =	sdelay $0x4  }
0xdd: {  	[tilespmem:v2+s15+$0x0] =	vst.idx.add.f32.msk $0xffff, v1  }
0xde: {  	v2 =	vld [tilespmem:$0x3C0];
	_ =	sdelay $0x4  }
0xdf: {  	v2 =	vadd.s32 $0x80, v2;
	_ =	sdelay $0x4  }
0xe0: {  	[tilespmem:v2+s15+$0x0] =	vst.idx.add.f32.msk $0xffff, v1  }
0xe1: {  	v2 =	vld [tilespmem:$0x3D0];
	_ =	sdelay $0x4  }
0xe2: {  	v2 =	vadd.s32 $0x80, v2;
	_ =	sdelay $0x4  }
0xe3: {  	[tilespmem:v2+s15+$0x0] =	vst.idx.add.f32.msk $0xffff, v1  }
0xe4: {  	v2 =	vld [tilespmem:$0x3E0];
	_ =	sdelay $0x4  }
0xe5: {  	v2 =	vadd.s32 $0x80, v2;
	_ =	sdelay $0x4  }
0xe6: {  	[tilespmem:v2+s15+$0x0] =	vst.idx.add.f32.msk $0xffff, v1  }
0xe7: {  	v2 =	vld [tilespmem:$0x3F0];
	_ =	sdelay $0x4  }
0xe8: {  	v2 =	vadd.s32 $0x80, v2;
	_ =	sdelay $0x4  }
0xe9: {  	[tilespmem:v2+s15+$0x0] =	vst.idx.add.f32.msk $0xffff, v1  }
0xea: {  	_ =	swait.ge [sflag:s17], $0x200  }
0xeb: {  	[sflag:s17] =	ssyncset.done $0x0  }
0xec: {  	[sflag:s17] =	ssyncadd.s32 $0xFFFFFE00  }
0xed: {  	v2 =	vld [tilespmem:$0x400];
	_ =	sdelay $0x4  }
0xee: {  	v2 =	vadd.s32 $0x100, v2;
	_ =	sdelay $0x4  }
0xef: {  	[tilespmem:v2+s15+$0x0] =	vst.idx.add.f32.msk $0xffff, v1  }
0xf0: {  	v2 =	vld [tilespmem:$0x410];
	_ =	sdelay $0x4  }
0xf1: {  	v2 =	vadd.s32 $0x100, v2;
	_ =	sdelay $0x4  }
0xf2: {  	[tilespmem:v2+s15+$0x0] =	vst.idx.add.f32.msk $0xffff, v1  }
0xf3: {  	v2 =	vld [tilespmem:$0x420];
	_ =	sdelay $0x4  }
0xf4: {  	v2 =	vadd.s32 $0x100, v2;
	_ =	sdelay $0x4  }
0xf5: {  	[tilespmem:v2+s15+$0x0] =	vst.idx.add.f32.msk $0xffff, v1  }
0xf6: {  	v2 =	vld [tilespmem:$0x430];
	_ =	sdelay $0x4  }
0xf7: {  	v2 =	vadd.s32 $0x100, v2;
	_ =	sdelay $0x4  }
0xf8: {  	[tilespmem:v2+s15+$0x0] =	vst.idx.add.f32.msk $0xffff, v1  }
0xf9: {  	v2 =	vld [tilespmem:$0x440];
	_ =	sdelay $0x4  }
0xfa: {  	v2 =	vadd.s32 $0x100, v2;
	_ =	sdelay $0x4  }
0xfb: {  	[tilespmem:v2+s15+$0x0] =	vst.idx.add.f32.msk $0xffff, v1  }
0xfc: {  	v2 =	vld [tilespmem:$0x450];
	_ =	sdelay $0x4  }
0xfd: {  	v2 =	vadd.s32 $0x100, v2;
	_ =	sdelay $0x4  }
0xfe: {  	[tilespmem:v2+s15+$0x0] =	vst.idx.add.f32.msk $0xffff, v1  }
0xff: {  	v2 =	vld [tilespmem:$0x460];
	_ =	sdelay $0x4  }
0x100: {  	v2 =	vadd.s32 $0x100, v2;
	_ =	sdelay $0x4  }
0x101: {  	[tilespmem:v2+s15+$0x0] =	vst.idx.add.f32.msk $0xffff, v1  }
0x102: {  	v2 =	vld [tilespmem:$0x470];
	_ =	sdelay $0x4  }
0x103: {  	v2 =	vadd.s32 $0x100, v2;
	_ =	sdelay $0x4  }
0x104: {  	[tilespmem:v2+s15+$0x0] =	vst.idx.add.f32.msk $0xffff, v1  }
0x105: {  	v2 =	vld [tilespmem:$0x480];
	_ =	sdelay $0x4  }
0x106: {  	v2 =	vadd.s32 $0x100, v2;
	_ =	sdelay $0x4  }
0x107: {  	[tilespmem:v2+s15+$0x0] =	vst.idx.add.f32.msk $0xffff, v1  }
0x108: {  	v2 =	vld [tilespmem:$0x490];
	_ =	sdelay $0x4  }
0x109: {  	v2 =	vadd.s32 $0x100, v2;
	_ =	sdelay $0x4  }
0x10a: {  	[tilespmem:v2+s15+$0x0] =	vst.idx.add.f32.msk $0xffff, v1  }
0x10b: {  	v2 =	vld [tilespmem:$0x4A0];
	_ =	sdelay $0x4  }
0x10c: {  	v2 =	vadd.s32 $0x100, v2;
	_ =	sdelay $0x4  }
0x10d: {  	[tilespmem:v2+s15+$0x0] =	vst.idx.add.f32.msk $0xffff, v1  }
0x10e: {  	v2 =	vld [tilespmem:$0x4B0];
	_ =	sdelay $0x4  }
0x10f: {  	v2 =	vadd.s32 $0x100, v2;
	_ =	sdelay $0x4  }
0x110: {  	[tilespmem:v2+s15+$0x0] =	vst.idx.add.f32.msk $0xffff, v1  }
0x111: {  	v2 =	vld [tilespmem:$0x4C0];
	_ =	sdelay $0x4  }
0x112: {  	v2 =	vadd.s32 $0x100, v2;
	_ =	sdelay $0x4  }
0x113: {  	[tilespmem:v2+s15+$0x0] =	vst.idx.add.f32.msk $0xffff, v1  }
0x114: {  	v2 =	vld [tilespmem:$0x4D0];
	_ =	sdelay $0x4  }
0x115: {  	v2 =	vadd.s32 $0x100, v2;
	_ =	sdelay $0x4  }
0x116: {  	[tilespmem:v2+s15+$0x0] =	vst.idx.add.f32.msk $0xffff, v1  }
0x117: {  	v2 =	vld [tilespmem:$0x4E0];
	_ =	sdelay $0x4  }
0x118: {  	v2 =	vadd.s32 $0x100, v2;
	_ =	sdelay $0x4  }
0x119: {  	[tilespmem:v2+s15+$0x0] =	vst.idx.add.f32.msk $0xffff, v1  }
0x11a: {  	v2 =	vld [tilespmem:$0x4F0];
	_ =	sdelay $0x4  }
0x11b: {  	v2 =	vadd.s32 $0x100, v2;
	_ =	sdelay $0x4  }
0x11c: {  	[tilespmem:v2+s15+$0x0] =	vst.idx.add.f32.msk $0xffff, v1  }
0x11d: {  	v2 =	vld [tilespmem:$0x500];
	_ =	sdelay $0x4  }
0x11e: {  	v2 =	vadd.s32 $0x100, v2;
	_ =	sdelay $0x4  }
0x11f: {  	[tilespmem:v2+s15+$0x0] =	vst.idx.add.f32.msk $0xffff, v1  }
0x120: {  	v2 =	vld [tilespmem:$0x510];
	_ =	sdelay $0x4  }
0x121: {  	v2 =	vadd.s32 $0x100, v2;
	_ =	sdelay $0x4  }
0x122: {  	[tilespmem:v2+s15+$0x0] =	vst.idx.add.f32.msk $0xffff, v1  }
0x123: {  	v2 =	vld [tilespmem:$0x520];
	_ =	sdelay $0x4  }
0x124: {  	v2 =	vadd.s32 $0x100, v2;
	_ =	sdelay $0x4  }
0x125: {  	[tilespmem:v2+s15+$0x0] =	vst.idx.add.f32.msk $0xffff, v1  }
0x126: {  	v2 =	vld [tilespmem:$0x530];
	_ =	sdelay $0x4  }
0x127: {  	v2 =	vadd.s32 $0x100, v2;
	_ =	sdelay $0x4  }
0x128: {  	[tilespmem:v2+s15+$0x0] =	vst.idx.add.f32.msk $0xffff, v1  }
0x129: {  	v2 =	vld [tilespmem:$0x540];
	_ =	sdelay $0x4  }
0x12a: {  	v2 =	vadd.s32 $0x100, v2;
	_ =	sdelay $0x4  }
0x12b: {  	[tilespmem:v2+s15+$0x0] =	vst.idx.add.f32.msk $0xffff, v1  }
0x12c: {  	v2 =	vld [tilespmem:$0x550];
	_ =	sdelay $0x4  }
0x12d: {  	v2 =	vadd.s32 $0x100, v2;
	_ =	sdelay $0x4  }
0x12e: {  	[tilespmem:v2+s15+$0x0] =	vst.idx.add.f32.msk $0xffff, v1  }
0x12f: {  	v2 =	vld [tilespmem:$0x560];
	_ =	sdelay $0x4  }
0x130: {  	v2 =	vadd.s32 $0x100, v2;
	_ =	sdelay $0x4  }
0x131: {  	[tilespmem:v2+s15+$0x0] =	vst.idx.add.f32.msk $0xffff, v1  }
0x132: {  	v2 =	vld [tilespmem:$0x570];
	_ =	sdelay $0x4  }
0x133: {  	v2 =	vadd.s32 $0x100, v2;
	_ =	sdelay $0x4  }
0x134: {  	[tilespmem:v2+s15+$0x0] =	vst.idx.add.f32.msk $0xffff, v1  }
0x135: {  	v2 =	vld [tilespmem:$0x580];
	_ =	sdelay $0x4  }
0x136: {  	v2 =	vadd.s32 $0x100, v2;
	_ =	sdelay $0x4  }
0x137: {  	[tilespmem:v2+s15+$0x0] =	vst.idx.add.f32.msk $0xffff, v1  }
0x138: {  	v2 =	vld [tilespmem:$0x590];
	_ =	sdelay $0x4  }
0x139: {  	v2 =	vadd.s32 $0x100, v2;
	_ =	sdelay $0x4  }
0x13a: {  	[tilespmem:v2+s15+$0x0] =	vst.idx.add.f32.msk $0xffff, v1  }
0x13b: {  	v2 =	vld [tilespmem:$0x5A0];
	_ =	sdelay $0x4  }
0x13c: {  	v2 =	vadd.s32 $0x100, v2;
	_ =	sdelay $0x4  }
0x13d: {  	[tilespmem:v2+s15+$0x0] =	vst.idx.add.f32.msk $0xffff, v1  }
0x13e: {  	v2 =	vld [tilespmem:$0x5B0];
	_ =	sdelay $0x4  }
0x13f: {  	v2 =	vadd.s32 $0x100, v2;
	_ =	sdelay $0x4  }
0x140: {  	[tilespmem:v2+s15+$0x0] =	vst.idx.add.f32.msk $0xffff, v1  }
0x141: {  	v2 =	vld [tilespmem:$0x5C0];
	_ =	sdelay $0x4  }
0x142: {  	v2 =	vadd.s32 $0x100, v2;
	_ =	sdelay $0x4  }
0x143: {  	[tilespmem:v2+s15+$0x0] =	vst.idx.add.f32.msk $0xffff, v1  }
0x144: {  	v2 =	vld [tilespmem:$0x5D0];
	_ =	sdelay $0x4  }
0x145: {  	v2 =	vadd.s32 $0x100, v2;
	_ =	sdelay $0x4  }
0x146: {  	[tilespmem:v2+s15+$0x0] =	vst.idx.add.f32.msk $0xffff, v1  }
0x147: {  	v2 =	vld [tilespmem:$0x5E0];
	_ =	sdelay $0x4  }
0x148: {  	v2 =	vadd.s32 $0x100, v2;
	_ =	sdelay $0x4  }
0x149: {  	[tilespmem:v2+s15+$0x0] =	vst.idx.add.f32.msk $0xffff, v1  }
0x14a: {  	v2 =	vld [tilespmem:$0x5F0];
	_ =	sdelay $0x4  }
0x14b: {  	v2 =	vadd.s32 $0x100, v2;
	_ =	sdelay $0x4  }
0x14c: {  	[tilespmem:v2+s15+$0x0] =	vst.idx.add.f32.msk $0xffff, v1  }
0x14d: {  	_ =	swait.ge [sflag:s18], $0x200  }
0x14e: {  	[sflag:s18] =	ssyncset.done $0x0  }
0x14f: {  	[sflag:s18] =	ssyncadd.s32 $0xFFFFFE00  }
0x150: {  	v2 =	vld [tilespmem:$0x600];
	_ =	sdelay $0x4  }
0x151: {  	v2 =	vadd.s32 $0x180, v2;
	_ =	sdelay $0x4  }
0x152: {  	[tilespmem:v2+s15+$0x0] =	vst.idx.add.f32.msk $0xffff, v1  }
0x153: {  	v2 =	vld [tilespmem:$0x610];
	_ =	sdelay $0x4  }
0x154: {  	v2 =	vadd.s32 $0x180, v2;
	_ =	sdelay $0x4  }
0x155: {  	[tilespmem:v2+s15+$0x0] =	vst.idx.add.f32.msk $0xffff, v1  }
0x156: {  	v2 =	vld [tilespmem:$0x620];
	_ =	sdelay $0x4  }
0x157: {  	v2 =	vadd.s32 $0x180, v2;
	_ =	sdelay $0x4  }
0x158: {  	[tilespmem:v2+s15+$0x0] =	vst.idx.add.f32.msk $0xffff, v1  }
0x159: {  	v2 =	vld [tilespmem:$0x630];
	_ =	sdelay $0x4  }
0x15a: {  	v2 =	vadd.s32 $0x180, v2;
	_ =	sdelay $0x4  }
0x15b: {  	[tilespmem:v2+s15+$0x0] =	vst.idx.add.f32.msk $0xffff, v1  }
0x15c: {  	v2 =	vld [tilespmem:$0x640];
	_ =	sdelay $0x4  }
0x15d: {  	v2 =	vadd.s32 $0x180, v2;
	_ =	sdelay $0x4  }
0x15e: {  	[tilespmem:v2+s15+$0x0] =	vst.idx.add.f32.msk $0xffff, v1  }
0x15f: {  	v2 =	vld [tilespmem:$0x650];
	_ =	sdelay $0x4  }
0x160: {  	v2 =	vadd.s32 $0x180, v2;
	_ =	sdelay $0x4  }
0x161: {  	[tilespmem:v2+s15+$0x0] =	vst.idx.add.f32.msk $0xffff, v1  }
0x162: {  	v2 =	vld [tilespmem:$0x660];
	_ =	sdelay $0x4  }
0x163: {  	v2 =	vadd.s32 $0x180, v2;
	_ =	sdelay $0x4  }
0x164: {  	[tilespmem:v2+s15+$0x0] =	vst.idx.add.f32.msk $0xffff, v1  }
0x165: {  	v2 =	vld [tilespmem:$0x670];
	_ =	sdelay $0x4  }
0x166: {  	v2 =	vadd.s32 $0x180, v2;
	_ =	sdelay $0x4  }
0x167: {  	[tilespmem:v2+s15+$0x0] =	vst.idx.add.f32.msk $0xffff, v1  }
0x168: {  	v2 =	vld [tilespmem:$0x680];
	_ =	sdelay $0x4  }
0x169: {  	v2 =	vadd.s32 $0x180, v2;
	_ =	sdelay $0x4  }
0x16a: {  	[tilespmem:v2+s15+$0x0] =	vst.idx.add.f32.msk $0xffff, v1  }
0x16b: {  	v2 =	vld [tilespmem:$0x690];
	_ =	sdelay $0x4  }
0x16c: {  	v2 =	vadd.s32 $0x180, v2;
	_ =	sdelay $0x4  }
0x16d: {  	[tilespmem:v2+s15+$0x0] =	vst.idx.add.f32.msk $0xffff, v1  }
0x16e: {  	v2 =	vld [tilespmem:$0x6A0];
	_ =	sdelay $0x4  }
0x16f: {  	v2 =	vadd.s32 $0x180, v2;
	_ =	sdelay $0x4  }
0x170: {  	[tilespmem:v2+s15+$0x0] =	vst.idx.add.f32.msk $0xffff, v1  }
0x171: {  	v2 =	vld [tilespmem:$0x6B0];
	_ =	sdelay $0x4  }
0x172: {  	v2 =	vadd.s32 $0x180, v2;
	_ =	sdelay $0x4  }
0x173: {  	[tilespmem:v2+s15+$0x0] =	vst.idx.add.f32.msk $0xffff, v1  }
0x174: {  	v2 =	vld [tilespmem:$0x6C0];
	_ =	sdelay $0x4  }
0x175: {  	v2 =	vadd.s32 $0x180, v2;
	_ =	sdelay $0x4  }
0x176: {  	[tilespmem:v2+s15+$0x0] =	vst.idx.add.f32.msk $0xffff, v1  }
0x177: {  	v2 =	vld [tilespmem:$0x6D0];
	_ =	sdelay $0x4  }
0x178: {  	v2 =	vadd.s32 $0x180, v2;
	_ =	sdelay $0x4  }
0x179: {  	[tilespmem:v2+s15+$0x0] =	vst.idx.add.f32.msk $0xffff, v1  }
0x17a: {  	v2 =	vld [tilespmem:$0x6E0];
	_ =	sdelay $0x4  }
0x17b: {  	v2 =	vadd.s32 $0x180, v2;
	_ =	sdelay $0x4  }
0x17c: {  	[tilespmem:v2+s15+$0x0] =	vst.idx.add.f32.msk $0xffff, v1  }
0x17d: {  	v2 =	vld [tilespmem:$0x6F0];
	_ =	sdelay $0x4  }
0x17e: {  	v2 =	vadd.s32 $0x180, v2;
	_ =	sdelay $0x4  }
0x17f: {  	[tilespmem:v2+s15+$0x0] =	vst.idx.add.f32.msk $0xffff, v1  }
0x180: {  	v2 =	vld [tilespmem:$0x700];
	_ =	sdelay $0x4  }
0x181: {  	v2 =	vadd.s32 $0x180, v2;
	_ =	sdelay $0x4  }
0x182: {  	[tilespmem:v2+s15+$0x0] =	vst.idx.add.f32.msk $0xffff, v1  }
0x183: {  	v2 =	vld [tilespmem:$0x710];
	_ =	sdelay $0x4  }
0x184: {  	v2 =	vadd.s32 $0x180, v2;
	_ =	sdelay $0x4  }
0x185: {  	[tilespmem:v2+s15+$0x0] =	vst.idx.add.f32.msk $0xffff, v1  }
0x186: {  	v2 =	vld [tilespmem:$0x720];
	_ =	sdelay $0x4  }
0x187: {  	v2 =	vadd.s32 $0x180, v2;
	_ =	sdelay $0x4  }
0x188: {  	[tilespmem:v2+s15+$0x0] =	vst.idx.add.f32.msk $0xffff, v1  }
0x189: {  	v2 =	vld [tilespmem:$0x730];
	_ =	sdelay $0x4  }
0x18a: {  	v2 =	vadd.s32 $0x180, v2;
	_ =	sdelay $0x4  }
0x18b: {  	[tilespmem:v2+s15+$0x0] =	vst.idx.add.f32.msk $0xffff, v1  }
0x18c: {  	v2 =	vld [tilespmem:$0x740];
	_ =	sdelay $0x4  }
0x18d: {  	v2 =	vadd.s32 $0x180, v2;
	_ =	sdelay $0x4  }
0x18e: {  	[tilespmem:v2+s15+$0x0] =	vst.idx.add.f32.msk $0xffff, v1  }
0x18f: {  	v2 =	vld [tilespmem:$0x750];
	_ =	sdelay $0x4  }
0x190: {  	v2 =	vadd.s32 $0x180, v2;
	_ =	sdelay $0x4  }
0x191: {  	[tilespmem:v2+s15+$0x0] =	vst.idx.add.f32.msk $0xffff, v1  }
0x192: {  	v2 =	vld [tilespmem:$0x760];
	_ =	sdelay $0x4  }
0x193: {  	v2 =	vadd.s32 $0x180, v2;
	_ =	sdelay $0x4  }
0x194: {  	[tilespmem:v2+s15+$0x0] =	vst.idx.add.f32.msk $0xffff, v1  }
0x195: {  	v2 =	vld [tilespmem:$0x770];
	_ =	sdelay $0x4  }
0x196: {  	v2 =	vadd.s32 $0x180, v2;
	_ =	sdelay $0x4  }
0x197: {  	[tilespmem:v2+s15+$0x0] =	vst.idx.add.f32.msk $0xffff, v1  }
0x198: {  	v2 =	vld [tilespmem:$0x780];
	_ =	sdelay $0x4  }
0x199: {  	v2 =	vadd.s32 $0x180, v2;
	_ =	sdelay $0x4  }
0x19a: {  	[tilespmem:v2+s15+$0x0] =	vst.idx.add.f32.msk $0xffff, v1  }
0x19b: {  	v2 =	vld [tilespmem:$0x790];
	_ =	sdelay $0x4  }
0x19c: {  	v2 =	vadd.s32 $0x180, v2;
	_ =	sdelay $0x4  }
0x19d: {  	[tilespmem:v2+s15+$0x0] =	vst.idx.add.f32.msk $0xffff, v1  }
0x19e: {  	v2 =	vld [tilespmem:$0x7A0];
	_ =	sdelay $0x4  }
0x19f: {  	v2 =	vadd.s32 $0x180, v2;
	_ =	sdelay $0x4  }
0x1a0: {  	[tilespmem:v2+s15+$0x0] =	vst.idx.add.f32.msk $0xffff, v1  }
0x1a1: {  	v2 =	vld [tilespmem:$0x7B0];
	_ =	sdelay $0x4  }
0x1a2: {  	v2 =	vadd.s32 $0x180, v2;
	_ =	sdelay $0x4  }
0x1a3: {  	[tilespmem:v2+s15+$0x0] =	vst.idx.add.f32.msk $0xffff, v1  }
0x1a4: {  	v2 =	vld [tilespmem:$0x7C0];
	_ =	sdelay $0x4  }
0x1a5: {  	v2 =	vadd.s32 $0x180, v2;
	_ =	sdelay $0x4  }
0x1a6: {  	[tilespmem:v2+s15+$0x0] =	vst.idx.add.f32.msk $0xffff, v1  }
0x1a7: {  	v2 =	vld [tilespmem:$0x7D0];
	_ =	sdelay $0x4  }
0x1a8: {  	v2 =	vadd.s32 $0x180, v2;
	_ =	sdelay $0x4  }
0x1a9: {  	[tilespmem:v2+s15+$0x0] =	vst.idx.add.f32.msk $0xffff, v1  }
0x1aa: {  	v2 =	vld [tilespmem:$0x7E0];
	_ =	sdelay $0x4  }
0x1ab: {  	v2 =	vadd.s32 $0x180, v2;
	_ =	sdelay $0x4  }
0x1ac: {  	[tilespmem:v2+s15+$0x0] =	vst.idx.add.f32.msk $0xffff, v1  }
0x1ad: {  	v2 =	vld [tilespmem:$0x7F0];
	_ =	sdelay $0x4  }
0x1ae: {  	v2 =	vadd.s32 $0x180, v2;
	_ =	sdelay $0x4  }
0x1af: {  	[tilespmem:v2+s15+$0x0] =	vst.idx.add.f32.msk $0xffff, v1  }
0x1b0: {  	_ =	swait.ge [sflag:s19], $0x200  }
0x1b1: {  	[sflag:s19] =	ssyncset.done $0x0  }
0x1b2: {  	[sflag:s19] =	ssyncadd.s32 $0xFFFFFE00  }
0x1b3: {  	v2 =	vld [tilespmem:$0x800];
	_ =	sdelay $0x4  }
0x1b4: {  	v2 =	vadd.s32 $0x200, v2;
	_ =	sdelay $0x4  }
0x1b5: {  	[tilespmem:v2+s15+$0x0] =	vst.idx.add.f32.msk $0xffff, v1  }
0x1b6: {  	v2 =	vld [tilespmem:$0x810];
	_ =	sdelay $0x4  }
0x1b7: {  	v2 =	vadd.s32 $0x200, v2;
	_ =	sdelay $0x4  }
0x1b8: {  	[tilespmem:v2+s15+$0x0] =	vst.idx.add.f32.msk $0xffff, v1  }
0x1b9: {  	v2 =	vld [tilespmem:$0x820];
	_ =	sdelay $0x4  }
0x1ba: {  	v2 =	vadd.s32 $0x200, v2;
	_ =	sdelay $0x4  }
0x1bb: {  	[tilespmem:v2+s15+$0x0] =	vst.idx.add.f32.msk $0xffff, v1  }
0x1bc: {  	v2 =	vld [tilespmem:$0x830];
	_ =	sdelay $0x4  }
0x1bd: {  	v2 =	vadd.s32 $0x200, v2;
	_ =	sdelay $0x4  }
0x1be: {  	[tilespmem:v2+s15+$0x0] =	vst.idx.add.f32.msk $0xffff, v1  }
0x1bf: {  	v2 =	vld [tilespmem:$0x840];
	_ =	sdelay $0x4  }
0x1c0: {  	v2 =	vadd.s32 $0x200, v2;
	_ =	sdelay $0x4  }
0x1c1: {  	[tilespmem:v2+s15+$0x0] =	vst.idx.add.f32.msk $0xffff, v1  }
0x1c2: {  	v2 =	vld [tilespmem:$0x850];
	_ =	sdelay $0x4  }
0x1c3: {  	v2 =	vadd.s32 $0x200, v2;
	_ =	sdelay $0x4  }
0x1c4: {  	[tilespmem:v2+s15+$0x0] =	vst.idx.add.f32.msk $0xffff, v1  }
0x1c5: {  	v2 =	vld [tilespmem:$0x860];
	_ =	sdelay $0x4  }
0x1c6: {  	v2 =	vadd.s32 $0x200, v2;
	_ =	sdelay $0x4  }
0x1c7: {  	[tilespmem:v2+s15+$0x0] =	vst.idx.add.f32.msk $0xffff, v1  }
0x1c8: {  	v2 =	vld [tilespmem:$0x870];
	_ =	sdelay $0x4  }
0x1c9: {  	v2 =	vadd.s32 $0x200, v2;
	_ =	sdelay $0x4  }
0x1ca: {  	[tilespmem:v2+s15+$0x0] =	vst.idx.add.f32.msk $0xffff, v1  }
0x1cb: {  	v2 =	vld [tilespmem:$0x880];
	_ =	sdelay $0x4  }
0x1cc: {  	v2 =	vadd.s32 $0x200, v2;
	_ =	sdelay $0x4  }
0x1cd: {  	[tilespmem:v2+s15+$0x0] =	vst.idx.add.f32.msk $0xffff, v1  }
0x1ce: {  	v2 =	vld [tilespmem:$0x890];
	_ =	sdelay $0x4  }
0x1cf: {  	v2 =	vadd.s32 $0x200, v2;
	_ =	sdelay $0x4  }
0x1d0: {  	[tilespmem:v2+s15+$0x0] =	vst.idx.add.f32.msk $0xffff, v1  }
0x1d1: {  	v2 =	vld [tilespmem:$0x8A0];
	_ =	sdelay $0x4  }
0x1d2: {  	v2 =	vadd.s32 $0x200, v2;
	_ =	sdelay $0x4  }
0x1d3: {  	[tilespmem:v2+s15+$0x0] =	vst.idx.add.f32.msk $0xffff, v1  }
0x1d4: {  	v2 =	vld [tilespmem:$0x8B0];
	_ =	sdelay $0x4  }
0x1d5: {  	v2 =	vadd.s32 $0x200, v2;
	_ =	sdelay $0x4  }
0x1d6: {  	[tilespmem:v2+s15+$0x0] =	vst.idx.add.f32.msk $0xffff, v1  }
0x1d7: {  	v2 =	vld [tilespmem:$0x8C0];
	_ =	sdelay $0x4  }
0x1d8: {  	v2 =	vadd.s32 $0x200, v2;
	_ =	sdelay $0x4  }
0x1d9: {  	[tilespmem:v2+s15+$0x0] =	vst.idx.add.f32.msk $0xffff, v1  }
0x1da: {  	v2 =	vld [tilespmem:$0x8D0];
	_ =	sdelay $0x4  }
0x1db: {  	v2 =	vadd.s32 $0x200, v2;
	_ =	sdelay $0x4  }
0x1dc: {  	[tilespmem:v2+s15+$0x0] =	vst.idx.add.f32.msk $0xffff, v1  }
0x1dd: {  	v2 =	vld [tilespmem:$0x8E0];
	_ =	sdelay $0x4  }
0x1de: {  	v2 =	vadd.s32 $0x200, v2;
	_ =	sdelay $0x4  }
0x1df: {  	[tilespmem:v2+s15+$0x0] =	vst.idx.add.f32.msk $0xffff, v1  }
0x1e0: {  	v2 =	vld [tilespmem:$0x8F0];
	_ =	sdelay $0x4  }
0x1e1: {  	v2 =	vadd.s32 $0x200, v2;
	_ =	sdelay $0x4  }
0x1e2: {  	[tilespmem:v2+s15+$0x0] =	vst.idx.add.f32.msk $0xffff, v1  }
0x1e3: {  	v2 =	vld [tilespmem:$0x900];
	_ =	sdelay $0x4  }
0x1e4: {  	v2 =	vadd.s32 $0x200, v2;
	_ =	sdelay $0x4  }
0x1e5: {  	[tilespmem:v2+s15+$0x0] =	vst.idx.add.f32.msk $0xffff, v1  }
0x1e6: {  	v2 =	vld [tilespmem:$0x910];
	_ =	sdelay $0x4  }
0x1e7: {  	v2 =	vadd.s32 $0x200, v2;
	_ =	sdelay $0x4  }
0x1e8: {  	[tilespmem:v2+s15+$0x0] =	vst.idx.add.f32.msk $0xffff, v1  }
0x1e9: {  	v2 =	vld [tilespmem:$0x920];
	_ =	sdelay $0x4  }
0x1ea: {  	v2 =	vadd.s32 $0x200, v2;
	_ =	sdelay $0x4  }
0x1eb: {  	[tilespmem:v2+s15+$0x0] =	vst.idx.add.f32.msk $0xffff, v1  }
0x1ec: {  	v2 =	vld [tilespmem:$0x930];
	_ =	sdelay $0x4  }
0x1ed: {  	v2 =	vadd.s32 $0x200, v2;
	_ =	sdelay $0x4  }
0x1ee: {  	[tilespmem:v2+s15+$0x0] =	vst.idx.add.f32.msk $0xffff, v1  }
0x1ef: {  	v2 =	vld [tilespmem:$0x940];
	_ =	sdelay $0x4  }
0x1f0: {  	v2 =	vadd.s32 $0x200, v2;
	_ =	sdelay $0x4  }
0x1f1: {  	[tilespmem:v2+s15+$0x0] =	vst.idx.add.f32.msk $0xffff, v1  }
0x1f2: {  	v2 =	vld [tilespmem:$0x950];
	_ =	sdelay $0x4  }
0x1f3: {  	v2 =	vadd.s32 $0x200, v2;
	_ =	sdelay $0x4  }
0x1f4: {  	[tilespmem:v2+s15+$0x0] =	vst.idx.add.f32.msk $0xffff, v1  }
0x1f5: {  	v2 =	vld [tilespmem:$0x960];
	_ =	sdelay $0x4  }
0x1f6: {  	v2 =	vadd.s32 $0x200, v2;
	_ =	sdelay $0x4  }
0x1f7: {  	[tilespmem:v2+s15+$0x0] =	vst.idx.add.f32.msk $0xffff, v1  }
0x1f8: {  	v2 =	vld [tilespmem:$0x970];
	_ =	sdelay $0x4  }
0x1f9: {  	v2 =	vadd.s32 $0x200, v2;
	_ =	sdelay $0x4  }
0x1fa: {  	[tilespmem:v2+s15+$0x0] =	vst.idx.add.f32.msk $0xffff, v1  }
0x1fb: {  	v2 =	vld [tilespmem:$0x980];
	_ =	sdelay $0x4  }
0x1fc: {  	v2 =	vadd.s32 $0x200, v2;
	_ =	sdelay $0x4  }
0x1fd: {  	[tilespmem:v2+s15+$0x0] =	vst.idx.add.f32.msk $0xffff, v1  }
0x1fe: {  	v2 =	vld [tilespmem:$0x990];
	_ =	sdelay $0x4  }
0x1ff: {  	v2 =	vadd.s32 $0x200, v2;
	_ =	sdelay $0x4  }
0x200: {  	[tilespmem:v2+s15+$0x0] =	vst.idx.add.f32.msk $0xffff, v1  }
0x201: {  	v2 =	vld [tilespmem:$0x9A0];
	_ =	sdelay $0x4  }
0x202: {  	v2 =	vadd.s32 $0x200, v2;
	_ =	sdelay $0x4  }
0x203: {  	[tilespmem:v2+s15+$0x0] =	vst.idx.add.f32.msk $0xffff, v1  }
0x204: {  	v2 =	vld [tilespmem:$0x9B0];
	_ =	sdelay $0x4  }
0x205: {  	v2 =	vadd.s32 $0x200, v2;
	_ =	sdelay $0x4  }
0x206: {  	[tilespmem:v2+s15+$0x0] =	vst.idx.add.f32.msk $0xffff, v1  }
0x207: {  	v2 =	vld [tilespmem:$0x9C0];
	_ =	sdelay $0x4  }
0x208: {  	v2 =	vadd.s32 $0x200, v2;
	_ =	sdelay $0x4  }
0x209: {  	[tilespmem:v2+s15+$0x0] =	vst.idx.add.f32.msk $0xffff, v1  }
0x20a: {  	v2 =	vld [tilespmem:$0x9D0];
	_ =	sdelay $0x4  }
0x20b: {  	v2 =	vadd.s32 $0x200, v2;
	_ =	sdelay $0x4  }
0x20c: {  	[tilespmem:v2+s15+$0x0] =	vst.idx.add.f32.msk $0xffff, v1  }
0x20d: {  	v2 =	vld [tilespmem:$0x9E0];
	_ =	sdelay $0x4  }
0x20e: {  	v2 =	vadd.s32 $0x200, v2;
	_ =	sdelay $0x4  }
0x20f: {  	[tilespmem:v2+s15+$0x0] =	vst.idx.add.f32.msk $0xffff, v1  }
0x210: {  	v2 =	vld [tilespmem:$0x9F0];
	_ =	sdelay $0x4  }
0x211: {  	v2 =	vadd.s32 $0x200, v2;
	_ =	sdelay $0x3  }
0x212: {  	p0 =	sne.s32 s9, $0x1  }
.Ltmp0:
0x213: {  	[tilespmem:v2+s15+$0x0] =	vst.idx.add.f32.msk $0xffff, v1;
	(pc) =	sbr.rel @p0 .LBB2_1-.Ltmp0, $4  }
0x214: {  	[hbm4b:s8+s20] =	stream.strided.scatter [tilespmem:s15], [sflag:$0x6], $0x280, s11, s20, $0x38;
	[tilespmem:$0xC80] =	vst v63  }
0x215: {  	_ =	swait.ge [sflag:s21], $0x280  }
0x216: {  	[sflag:s21] =	ssyncset.done $0x0  }
0x217: {  	s9 =	sadd.s32 $0xFFFFFFFF, s9;
	[sflag:s21] =	ssyncadd.s32 $0xFFFFFD80  }
0x218: {  	_ =	sfence.sel $0x180000  }
0x219: {  	[bflag:$0x0] =	sbarrier.arrive $0xFFFF  }
0x21a: {  	p0 =	sne.s32 s0, $0x0;
	_ =	strace $0x90000047  }
0x21b: {  	s0 =	sadd.s32 @!p0 $0x100000, s1;
	[bflag:$0x2] =	sbarrier.arrive $0xFFFF  }
0x21c: {  	[sflag:s0] =	ssyncadd.tile.s32 @!p0 $0x1;
	_ =	shalt  }
.Lfunc_end2:
_tile_overlayer_lowered:
.L_overlay_start_2:
0x21d: {  	(tag) =	ssettag $0x2  }
0x21e: {  	s0 =	rddreg [dreg:$0x0];
	s2 =	stileid.u32  }
0x21f: {  	s1 =	rddreg [dreg:$0x1];
	p0 =	sne.s32 s2, $0x0  }
0x220: {  	s3 =	rddreg [dreg:$0x2];
	[bflag:$0x3] =	sbarrier.arrive $0xFFFF;
	s2 =	simm.s32 @!p0 $0x1C06  }
0x221: {  	[timem:s3], [sflag:s2] =	dma.local @!p0 [hbm:s0], s1  }
0x222: {  	s0 =	simm.s32 @!p0 $0x6  }
0x223: {  	_ =	swait.ge @!p0 [sflag:s0], s1  }
0x224: {  	s1 =	ssub.s32 @!p0 $0x0, s1;
	[sflag:s0] =	ssyncset.done @!p0 $0x0  }
0x225: {  	[sflag:s0] =	ssyncadd.s32 @!p0 s1  }
0x226: {  	[bflag:$0x3] =	sbarrier.arrive $0xFFFF  }
0x227: {  	_ =	shalt  }

</sc_bundles>
